<compile_context>
chip_gen: v7x
topology: tpu7x:2x2x1
jax: 0.10.2.dev20260603
libtpu: 0.0.44.dev20260713+nightly
codegen_flags: <defaults>
</compile_context>

<pallas_src>
import functools

import jax
import jax.numpy as jnp
from jax import lax
from jax.experimental import pallas as pl
from jax.experimental.pallas import tpu as pltpu, tpu_sc as plsc

EXPERTS = 64
LANES = 16
NUM_WORKERS = 16
ACC = 2 * EXPERTS * LANES


@functools.lru_cache(maxsize=None)
def _build(batch: int, top_k: int, seq: int):
    n_total = batch * seq * top_k
    per_w = n_total // NUM_WORKERS
    n_rows = batch * top_k
    w_per_row = NUM_WORKERS // n_rows
    n_vecs = per_w // LANES
    scale = float(EXPERTS) / (float(n_total) * float(n_total))
    gsum_off = EXPERTS * LANES

    mesh = plsc.VectorSubcoreMesh(
        core_axis_name="c", subcore_axis_name="s", num_cores=1,
        num_subcores=NUM_WORKERS,
    )

    @functools.partial(
        pl.kernel,
        out_type=jax.ShapeDtypeStruct((LANES,), jnp.float32),
        mesh=mesh,
        compiler_params=pltpu.CompilerParams(
            needs_layout_passes=False, use_tc_tiling_on_sc=False
        ),
        scratch_types=[
            pltpu.VMEM((per_w,), jnp.int32),
            pltpu.VMEM((per_w,), jnp.float32),
            pltpu.VMEM((ACC,), jnp.float32),
            pltpu.VMEM((ACC,), jnp.float32),
            pltpu.VMEM((LANES,), jnp.float32),
            pltpu.VMEM_SHARED((NUM_WORKERS, ACC), jnp.float32),
            pltpu.SemaphoreType.DMA,
            pltpu.SemaphoreType.DMA,
        ],
    )
    def lbloss(gat_hbm, idx_hbm, out_hbm,
               idx_v, gat_v, acc_v, tmp_v, res_v, sh_all, sem_i, sem_g):
        sid = lax.axis_index("s")
        row = sid // w_per_row
        b = row // top_k
        k = row % top_k
        s0 = (sid % w_per_row) * per_w

        cp_i = pltpu.async_copy(idx_hbm.at[b, k, pl.ds(s0, per_w)], idx_v, sem_i)
        cp_g = pltpu.async_copy(gat_hbm.at[b, k, pl.ds(s0, per_w)], gat_v, sem_g)

        lane = lax.iota(jnp.int32, LANES)
        zeros = jnp.zeros((LANES,), jnp.float32)
        ones = jnp.ones((LANES,), jnp.float32)

        def zero_body(j, carry):
            acc_v[pl.ds(j * LANES, LANES)] = zeros
            return carry

        lax.fori_loop(0, ACC // LANES, zero_body, 0)

        cp_i.wait()
        cp_g.wait()

        def acc_body(i, carry):
            iv = idx_v[pl.ds(i * LANES, LANES)]
            gv = gat_v[pl.ds(i * LANES, LANES)]
            addr = iv * LANES + lane
            plsc.addupdate_scatter(acc_v, [addr], ones)
            plsc.addupdate_scatter(acc_v, [addr + gsum_off], gv)
            return carry

        lax.fori_loop(0, n_vecs, acc_body, 0)

        pltpu.sync_copy(acc_v, sh_all.at[sid])
        plsc.subcore_barrier()

        @pl.when(sid == 0)
        def _finalize():
            def red_body(w, carry):
                pltpu.sync_copy(sh_all.at[w], tmp_v)
                for j in range(ACC // LANES):
                    sl = pl.ds(j * LANES, LANES)
                    acc_v[sl] = acc_v[sl] + tmp_v[sl]
                return carry

            lax.fori_loop(1, NUM_WORKERS, red_body, 0)

            def dot_body(e, acc):
                hs = jnp.sum(acc_v[pl.ds(e * LANES, LANES)])
                gs = jnp.sum(acc_v[pl.ds(gsum_off + e * LANES, LANES)])
                return acc + hs * gs

            acc = lax.fori_loop(0, EXPERTS, dot_body, jnp.float32(0.0))
            res_v[...] = ones * (acc * jnp.float32(scale))
            pltpu.sync_copy(res_v, out_hbm)

    return lbloss


def kernel(gates, indices):
    b, s, k = gates.shape
    gt = jnp.transpose(gates, (0, 2, 1))
    it = jnp.transpose(indices.astype(jnp.int32), (0, 2, 1))
    out = _build(b, k, s)(gt, it)
    return out[0]

# --- scband reference (transcript-rebuilt; emitter-appended) ---
"""Pipeline reference for scband-load-balancing-loss-59141699666465 (READ-ONLY COPY).

The authoritative reference and input builder live on the scoring server;
editing this copy changes nothing except your own understanding.
"""

import jax, jax.numpy as jnp
import numpy as np

NUM_EXPERTS = 64

def setup_inputs(seed: int = 0) -> dict:
    key = jax.random.key(seed)
    k1, k2 = jax.random.split(key)
    gates = jax.random.uniform(k1, (4, 8192, 2), dtype=jnp.float32)
    indices = jax.random.randint(k2, (4, 8192, 2), 0, NUM_EXPERTS)
    return {"gates": gates, "indices": indices}

def reference(gates, indices):
    batch_size, seq_len, top_k = gates.shape
    total_tokens = batch_size * seq_len
    flat_idx = indices.reshape(-1)
    # scatter-add equivalent of the per-expert loop in the torch module
    expert_counts = jnp.zeros((NUM_EXPERTS,), dtype=jnp.float32).at[flat_idx].add(1.0)
    expert_gates_sum = jnp.zeros((NUM_EXPERTS,), dtype=jnp.float32).at[flat_idx].add(gates.reshape(-1))
    freq = expert_counts / (total_tokens * top_k)
    gate_mean = expert_gates_sum / (total_tokens * top_k)
    loss = NUM_EXPERTS * jnp.sum(freq * gate_mean)
    return loss

if __name__ == "__main__":
    import jax
    _d = setup_inputs()
    print(jax.jit(kernel)(*tuple(_d.values())))

</pallas_src>

<mosaic_0001>
#map = affine_map<(d0, d1) -> (0, 0, 0)>
#map1 = affine_map<(d0, d1) -> (0)>
module attributes {stable_mosaic.version = 14 : i64} {
  func.func @lbloss(%arg0: i32, %arg1: i32, %arg2: memref<4x2x8192xf32, #tpu.memory_space<hbm>>, %arg3: memref<4x2x8192xi32, #tpu.memory_space<hbm>>, %arg4: memref<16xf32, #tpu.memory_space<hbm>>, %arg5: memref<4096xi32, #tpu.memory_space<vmem>>, %arg6: memref<4096xf32, #tpu.memory_space<vmem>>, %arg7: memref<2048xf32, #tpu.memory_space<vmem>>, %arg8: memref<2048xf32, #tpu.memory_space<vmem>>, %arg9: memref<16xf32, #tpu.memory_space<vmem>>, %arg10: memref<16x2048xf32, #tpu.memory_space<vmem_shared>>, %arg11: memref<!tpu.dma_semaphore, #tpu.memory_space<semaphore_mem>>, %arg12: memref<!tpu.dma_semaphore, #tpu.memory_space<semaphore_mem>>) attributes {dimension_semantics = [#tpu.dimension_semantics<core_parallel>, #tpu.dimension_semantics<subcore_parallel>], iteration_bounds = array<i64: 1, 16>, scalar_prefetch = 0 : i64, scratch_operands = 8 : i64, tpu.core_type = #tpu.core_type<sc_vector_subcore>, window_params = [{transform_indices = #map}, {transform_indices = #map}, {transform_indices = #map1}]} {
    %jit3A = arith.constant 2 : i32
    %div3A = arith.divsi %arg1, %jit3A : i32
    %sign3A = arith.constant 0 : i32
    %sign3A_0 = arith.cmpi sgt, %arg1, %sign3A : i32
    %sign3A_1 = arith.extui %sign3A_0 : i1 to i32
    %sign3A_2 = arith.constant 0 : i32
    %sign3A_3 = arith.cmpi slt, %arg1, %sign3A_2 : i32
    %sign3A_4 = arith.extui %sign3A_3 : i1 to i32
    %sign3A_5 = arith.subi %sign3A_1, %sign3A_4 : i32
    %sign3A_6 = arith.constant 0 : i32
    %sign3A_7 = arith.cmpi sgt, %jit3A, %sign3A_6 : i32
    %sign3A_8 = arith.extui %sign3A_7 : i1 to i32
    %sign3A_9 = arith.constant 0 : i32
    %sign3A_10 = arith.cmpi slt, %jit3A, %sign3A_9 : i32
    %sign3A_11 = arith.extui %sign3A_10 : i1 to i32
    %sign3A_12 = arith.subi %sign3A_8, %sign3A_11 : i32
    %ne3A = arith.cmpi ne, %sign3A_5, %sign3A_12 : i32
    %rem3A = arith.remsi %arg1, %jit3A : i32
    %ne3A_13 = arith.constant 0 : i32
    %ne3A_14 = arith.cmpi ne, %rem3A, %ne3A_13 : i32
    %and3A = arith.andi %ne3A, %ne3A_14 : i1
    %sub3A = arith.constant 1 : i32
    %sub3A_15 = arith.subi %div3A, %sub3A : i32
    %select_n3A = arith.select %and3A, %sub3A_15, %div3A : i32
    %jit3A_16 = arith.constant 2 : i32
    %div3A_17 = arith.divsi %select_n3A, %jit3A_16 : i32
    %sign3A_18 = arith.constant 0 : i32
    %sign3A_19 = arith.cmpi sgt, %select_n3A, %sign3A_18 : i32
    %sign3A_20 = arith.extui %sign3A_19 : i1 to i32
    %sign3A_21 = arith.constant 0 : i32
    %sign3A_22 = arith.cmpi slt, %select_n3A, %sign3A_21 : i32
    %sign3A_23 = arith.extui %sign3A_22 : i1 to i32
    %sign3A_24 = arith.subi %sign3A_20, %sign3A_23 : i32
    %sign3A_25 = arith.constant 0 : i32
    %sign3A_26 = arith.cmpi sgt, %jit3A_16, %sign3A_25 : i32
    %sign3A_27 = arith.extui %sign3A_26 : i1 to i32
    %sign3A_28 = arith.constant 0 : i32
    %sign3A_29 = arith.cmpi slt, %jit3A_16, %sign3A_28 : i32
    %sign3A_30 = arith.extui %sign3A_29 : i1 to i32
    %sign3A_31 = arith.subi %sign3A_27, %sign3A_30 : i32
    %ne3A_32 = arith.cmpi ne, %sign3A_24, %sign3A_31 : i32
    %rem3A_33 = arith.remsi %select_n3A, %jit3A_16 : i32
    %ne3A_34 = arith.constant 0 : i32
    %ne3A_35 = arith.cmpi ne, %rem3A_33, %ne3A_34 : i32
    %and3A_36 = arith.andi %ne3A_32, %ne3A_35 : i1
    %sub3A_37 = arith.constant 1 : i32
    %sub3A_38 = arith.subi %div3A_17, %sub3A_37 : i32
    %select_n3A_39 = arith.select %and3A_36, %sub3A_38, %div3A_17 : i32
    %jit3A_40 = arith.constant 2 : i32
    %eq3A = arith.constant 0 : i32
    %eq3A_41 = arith.cmpi eq, %jit3A_40, %eq3A : i32
    %jit3A_42 = arith.constant 1 : i32
    %select_n3A_43 = arith.select %eq3A_41, %jit3A_42, %jit3A_40 : i32
    %rem3A_44 = arith.remsi %select_n3A, %select_n3A_43 : i32
    %ne3A_45 = arith.constant 0 : i32
    %ne3A_46 = arith.cmpi ne, %rem3A_44, %ne3A_45 : i32
    %lt3A = arith.constant 0 : i32
    %lt3A_47 = arith.cmpi slt, %rem3A_44, %lt3A : i32
    %lt3A_48 = arith.constant 0 : i32
    %lt3A_49 = arith.cmpi slt, %select_n3A_43, %lt3A_48 : i32
    %ne3A_50 = arith.xori %lt3A_47, %lt3A_49 : i1
    %and3A_51 = arith.andi %ne3A_50, %ne3A_46 : i1
    %add3A = arith.addi %rem3A_44, %select_n3A_43 : i32
    %select_n3A_52 = arith.select %and3A_51, %add3A, %rem3A_44 : i32
    %jit3A_53 = arith.constant 2 : i32
    %eq3A_54 = arith.constant 0 : i32
    %eq3A_55 = arith.cmpi eq, %jit3A_53, %eq3A_54 : i32
    %jit3A_56 = arith.constant 1 : i32
    %select_n3A_57 = arith.select %eq3A_55, %jit3A_56, %jit3A_53 : i32
    %rem3A_58 = arith.remsi %arg1, %select_n3A_57 : i32
    %ne3A_59 = arith.constant 0 : i32
    %ne3A_60 = arith.cmpi ne, %rem3A_58, %ne3A_59 : i32
    %lt3A_61 = arith.constant 0 : i32
    %lt3A_62 = arith.cmpi slt, %rem3A_58, %lt3A_61 : i32
    %lt3A_63 = arith.constant 0 : i32
    %lt3A_64 = arith.cmpi slt, %select_n3A_57, %lt3A_63 : i32
    %ne3A_65 = arith.xori %lt3A_62, %lt3A_64 : i1
    %and3A_66 = arith.andi %ne3A_65, %ne3A_60 : i1
    %add3A_67 = arith.addi %rem3A_58, %select_n3A_57 : i32
    %select_n3A_68 = arith.select %and3A_66, %add3A_67, %rem3A_58 : i32
    %mul3A = arith.constant 4096 : i32
    %mul3A_69 = arith.muli %select_n3A_68, %mul3A : i32
    %dma_start3A = tpu.memref_slice %arg3[%select_n3A_39, %select_n3A_52, %mul3A_69] : memref<4x2x8192xi32, #tpu.memory_space<hbm>> -> memref<1x1x4096xi32, #tpu.memory_space<hbm>>
    %dma_start3A_70 = tpu.memref_squeeze %dma_start3A : memref<1x1x4096xi32, #tpu.memory_space<hbm>> -> memref<4096xi32, #tpu.memory_space<hbm>>
    %dma_start3A_71 = tpu.memref_slice %arg3[%select_n3A_39, %select_n3A_52, %mul3A_69] : memref<4x2x8192xi32, #tpu.memory_space<hbm>> -> memref<1x1x4096xi32, #tpu.memory_space<hbm>>
    %dma_start3A_72 = tpu.memref_squeeze %dma_start3A_71 : memref<1x1x4096xi32, #tpu.memory_space<hbm>> -> memref<4096xi32, #tpu.memory_space<hbm>>
    tpu.enqueue_dma source(%dma_start3A_72 : memref<4096xi32, #tpu.memory_space<hbm>>) target(%arg5 : memref<4096xi32, #tpu.memory_space<vmem>>) target_semaphore(%arg11 : memref<!tpu.dma_semaphore, #tpu.memory_space<semaphore_mem>>)
    %dma_start3A_73 = tpu.memref_slice %arg2[%select_n3A_39, %select_n3A_52, %mul3A_69] : memref<4x2x8192xf32, #tpu.memory_space<hbm>> -> memref<1x1x4096xf32, #tpu.memory_space<hbm>>
    %dma_start3A_74 = tpu.memref_squeeze %dma_start3A_73 : memref<1x1x4096xf32, #tpu.memory_space<hbm>> -> memref<4096xf32, #tpu.memory_space<hbm>>
    %dma_start3A_75 = tpu.memref_slice %arg2[%select_n3A_39, %select_n3A_52, %mul3A_69] : memref<4x2x8192xf32, #tpu.memory_space<hbm>> -> memref<1x1x4096xf32, #tpu.memory_space<hbm>>
    %dma_start3A_76 = tpu.memref_squeeze %dma_start3A_75 : memref<1x1x4096xf32, #tpu.memory_space<hbm>> -> memref<4096xf32, #tpu.memory_space<hbm>>
    tpu.enqueue_dma source(%dma_start3A_76 : memref<4096xf32, #tpu.memory_space<hbm>>) target(%arg6 : memref<4096xf32, #tpu.memory_space<vmem>>) target_semaphore(%arg12 : memref<!tpu.dma_semaphore, #tpu.memory_space<semaphore_mem>>)
    %iota3A = tpu.iota {dimensions = array<i32: 0>} : vector<16xi32>
    %broadcast_in_dim3A = arith.constant 0.000000e+00 : f32
    %broadcast_in_dim3A_77 = vector.broadcast %broadcast_in_dim3A : f32 to vector<16xf32>
    %broadcast_in_dim3A_78 = arith.constant 1.000000e+00 : f32
    %broadcast_in_dim3A_79 = vector.broadcast %broadcast_in_dim3A_78 : f32 to vector<16xf32>
    %scan3A = arith.constant 0 : i32
    %scan3A_80 = arith.constant 0 : i32
    %scan3A_81 = arith.constant 128 : i32
    %scan3A_82 = arith.addi %scan3A_80, %scan3A_81 : i32
    %scan3A_83 = arith.constant 1 : i32
    scf.for %scan3A_101 = %scan3A_80 to %scan3A_82 step %scan3A_83  : i32 {
      %mul3A_102 = arith.constant 16 : i32
      %mul3A_103 = arith.muli %scan3A_101, %mul3A_102 : i32
      %swap3A = arith.index_cast %mul3A_103 : i32 to index
      %swap3A_104 = tpu.vector_load %arg7[%swap3A] {strides = array<i32>} : memref<2048xf32, #tpu.memory_space<vmem>>, vector<16xf32>,
      tpu.vector_store %arg7[%swap3A], %broadcast_in_dim3A_77 {strides = array<i32>} : memref<2048xf32, #tpu.memory_space<vmem>>, vector<16xf32>,
    }
    %scan3A_84 = arith.constant 128 : i32
    %dma_wait3A = tpu.memref_slice %arg3[%select_n3A_39, %select_n3A_52, %mul3A_69] : memref<4x2x8192xi32, #tpu.memory_space<hbm>> -> memref<1x1x4096xi32, #tpu.memory_space<hbm>>
    %dma_wait3A_85 = tpu.memref_squeeze %dma_wait3A : memref<1x1x4096xi32, #tpu.memory_space<hbm>> -> memref<4096xi32, #tpu.memory_space<hbm>>
    %dma_wait3A_86 = tpu.memref_slice %arg3[%select_n3A_39, %select_n3A_52, %mul3A_69] : memref<4x2x8192xi32, #tpu.memory_space<hbm>> -> memref<1x1x4096xi32, #tpu.memory_space<hbm>>
    %dma_wait3A_87 = tpu.memref_squeeze %dma_wait3A_86 : memref<1x1x4096xi32, #tpu.memory_space<hbm>> -> memref<4096xi32, #tpu.memory_space<hbm>>
    tpu.wait_dma2 semaphore(%arg11 : memref<!tpu.dma_semaphore, #tpu.memory_space<semaphore_mem>>) src(%dma_wait3A_87 : memref<4096xi32, #tpu.memory_space<hbm>>) dst(%arg5 : memref<4096xi32, #tpu.memory_space<vmem>>)
    %dma_wait3A_88 = tpu.memref_slice %arg2[%select_n3A_39, %select_n3A_52, %mul3A_69] : memref<4x2x8192xf32, #tpu.memory_space<hbm>> -> memref<1x1x4096xf32, #tpu.memory_space<hbm>>
    %dma_wait3A_89 = tpu.memref_squeeze %dma_wait3A_88 : memref<1x1x4096xf32, #tpu.memory_space<hbm>> -> memref<4096xf32, #tpu.memory_space<hbm>>
    %dma_wait3A_90 = tpu.memref_slice %arg2[%select_n3A_39, %select_n3A_52, %mul3A_69] : memref<4x2x8192xf32, #tpu.memory_space<hbm>> -> memref<1x1x4096xf32, #tpu.memory_space<hbm>>
    %dma_wait3A_91 = tpu.memref_squeeze %dma_wait3A_90 : memref<1x1x4096xf32, #tpu.memory_space<hbm>> -> memref<4096xf32, #tpu.memory_space<hbm>>
    tpu.wait_dma2 semaphore(%arg12 : memref<!tpu.dma_semaphore, #tpu.memory_space<semaphore_mem>>) src(%dma_wait3A_91 : memref<4096xf32, #tpu.memory_space<hbm>>) dst(%arg6 : memref<4096xf32, #tpu.memory_space<vmem>>)
    %scan3A_92 = arith.constant 0 : i32
    %scan3A_93 = arith.constant 0 : i32
    %scan3A_94 = arith.constant 256 : i32
    %scan3A_95 = arith.addi %scan3A_93, %scan3A_94 : i32
    %scan3A_96 = arith.constant 1 : i32
    scf.for %scan3A_101 = %scan3A_93 to %scan3A_95 step %scan3A_96  : i32 {
      %mul3A_102 = arith.constant 16 : i32
      %mul3A_103 = arith.muli %scan3A_101, %mul3A_102 : i32
      %get3A = arith.index_cast %mul3A_103 : i32 to index
      %get3A_104 = tpu.vector_load %arg5[%get3A] {strides = array<i32>} : memref<4096xi32, #tpu.memory_space<vmem>>, vector<16xi32>,
      %mul3A_105 = arith.constant 16 : i32
      %mul3A_106 = arith.muli %scan3A_101, %mul3A_105 : i32
      %get3A_107 = arith.index_cast %mul3A_106 : i32 to index
      %get3A_108 = tpu.vector_load %arg6[%get3A_107] {strides = array<i32>} : memref<4096xf32, #tpu.memory_space<vmem>>, vector<16xf32>,
      %mul3A_109 = arith.constant 16 : i32
      %mul3A_110 = vector.broadcast %mul3A_109 : i32 to vector<16xi32>
      %mul3A_111 = arith.muli %get3A_104, %mul3A_110 : vector<16xi32>
      %add3A_112 = arith.addi %mul3A_111, %iota3A : vector<16xi32>
      tpu.vector_store_idx %arg7[%add3A_112], %broadcast_in_dim3A_79 {add = true} : memref<2048xf32, #tpu.memory_space<vmem>>[vector<16xi32>], vector<16xf32>,
      %add3A_113 = arith.constant 1024 : i32
      %add3A_114 = vector.broadcast %add3A_113 : i32 to vector<16xi32>
      %add3A_115 = arith.addi %add3A_112, %add3A_114 : vector<16xi32>
      tpu.vector_store_idx %arg7[%add3A_115], %get3A_108 {add = true} : memref<2048xf32, #tpu.memory_space<vmem>>[vector<16xi32>], vector<16xf32>,
    }
    %scan3A_97 = arith.constant 256 : i32
    "tpu.region"() ({
      %run_scoped3A = tpu.sem_alloc : memref<!tpu.dma_semaphore, #tpu.memory_space<semaphore_mem>>
      %dma_start3A_101 = arith.constant 0 : i32
      %dma_start3A_102 = tpu.memref_slice %arg10[%arg1, %dma_start3A_101] : memref<16x2048xf32, #tpu.memory_space<vmem_shared>> -> memref<1x2048xf32, #tpu.memory_space<vmem_shared>>
      %dma_start3A_103 = tpu.memref_squeeze %dma_start3A_102 : memref<1x2048xf32, #tpu.memory_space<vmem_shared>> -> memref<2048xf32, #tpu.memory_space<vmem_shared>>
      %dma_start3A_104 = arith.constant 0 : i32
      %dma_start3A_105 = tpu.memref_slice %arg10[%arg1, %dma_start3A_104] : memref<16x2048xf32, #tpu.memory_space<vmem_shared>> -> memref<1x2048xf32, #tpu.memory_space<vmem_shared>>
      %dma_start3A_106 = tpu.memref_squeeze %dma_start3A_105 : memref<1x2048xf32, #tpu.memory_space<vmem_shared>> -> memref<2048xf32, #tpu.memory_space<vmem_shared>>
      tpu.enqueue_dma source(%arg7 : memref<2048xf32, #tpu.memory_space<vmem>>) target(%dma_start3A_106 : memref<2048xf32, #tpu.memory_space<vmem_shared>>) target_semaphore(%run_scoped3A : memref<!tpu.dma_semaphore, #tpu.memory_space<semaphore_mem>>)
      %dma_wait3A_107 = arith.constant 0 : i32
      %dma_wait3A_108 = tpu.memref_slice %arg10[%arg1, %dma_wait3A_107] : memref<16x2048xf32, #tpu.memory_space<vmem_shared>> -> memref<1x2048xf32, #tpu.memory_space<vmem_shared>>
      %dma_wait3A_109 = tpu.memref_squeeze %dma_wait3A_108 : memref<1x2048xf32, #tpu.memory_space<vmem_shared>> -> memref<2048xf32, #tpu.memory_space<vmem_shared>>
      %dma_wait3A_110 = arith.constant 0 : i32
      %dma_wait3A_111 = tpu.memref_slice %arg10[%arg1, %dma_wait3A_110] : memref<16x2048xf32, #tpu.memory_space<vmem_shared>> -> memref<1x2048xf32, #tpu.memory_space<vmem_shared>>
      %dma_wait3A_112 = tpu.memref_squeeze %dma_wait3A_111 : memref<1x2048xf32, #tpu.memory_space<vmem_shared>> -> memref<2048xf32, #tpu.memory_space<vmem_shared>>
      tpu.wait_dma2 semaphore(%run_scoped3A : memref<!tpu.dma_semaphore, #tpu.memory_space<semaphore_mem>>) src(%arg7 : memref<2048xf32, #tpu.memory_space<vmem>>) dst(%dma_wait3A_112 : memref<2048xf32, #tpu.memory_space<vmem_shared>>)
      tpu.yield
    }) : () -> ()
    %barrier3A = arith.constant 0 : index
    tpu.barrier barrier_id(%barrier3A)
    %eq3A_98 = arith.constant 0 : i32
    %eq3A_99 = arith.cmpi eq, %arg1, %eq3A_98 : i32
    %convert_element_type3A = arith.extui %eq3A_99 : i1 to i32
    %cond3A = arith.constant 0 : i32
    %cond3A_100 = arith.cmpi ne, %convert_element_type3A, %cond3A : i32
    scf.if %cond3A_100 {
      %scan3A_101 = arith.constant 0 : i32
      %scan3A_102 = arith.constant 1 : i32
      %scan3A_103 = arith.constant 15 : i32
      %scan3A_104 = arith.addi %scan3A_102, %scan3A_103 : i32
      %scan3A_105 = arith.constant 1 : i32
      scf.for %scan3A_119 = %scan3A_102 to %scan3A_104 step %scan3A_105  : i32 {
        "tpu.region"() ({
          %run_scoped3A = tpu.sem_alloc : memref<!tpu.dma_semaphore, #tpu.memory_space<semaphore_mem>>
          %dma_start3A_1015 = arith.constant 0 : i32
          %dma_start3A_1016 = tpu.memref_slice %arg10[%scan3A_119, %dma_start3A_1015] : memref<16x2048xf32, #tpu.memory_space<vmem_shared>> -> memref<1x2048xf32, #tpu.memory_space<vmem_shared>>
          %dma_start3A_1017 = tpu.memref_squeeze %dma_start3A_1016 : memref<1x2048xf32, #tpu.memory_space<vmem_shared>> -> memref<2048xf32, #tpu.memory_space<vmem_shared>>
          %dma_start3A_1018 = arith.constant 0 : i32
          %dma_start3A_1019 = tpu.memref_slice %arg10[%scan3A_119, %dma_start3A_1018] : memref<16x2048xf32, #tpu.memory_space<vmem_shared>> -> memref<1x2048xf32, #tpu.memory_space<vmem_shared>>
          %dma_start3A_1020 = tpu.memref_squeeze %dma_start3A_1019 : memref<1x2048xf32, #tpu.memory_space<vmem_shared>> -> memref<2048xf32, #tpu.memory_space<vmem_shared>>
          tpu.enqueue_dma source(%dma_start3A_1020 : memref<2048xf32, #tpu.memory_space<vmem_shared>>) target(%arg8 : memref<2048xf32, #tpu.memory_space<vmem>>) target_semaphore(%run_scoped3A : memref<!tpu.dma_semaphore, #tpu.memory_space<semaphore_mem>>)
          %dma_wait3A_1021 = arith.constant 0 : i32
          %dma_wait3A_1022 = tpu.memref_slice %arg10[%scan3A_119, %dma_wait3A_1021] : memref<16x2048xf32, #tpu.memory_space<vmem_shared>> -> memref<1x2048xf32, #tpu.memory_space<vmem_shared>>
          %dma_wait3A_1023 = tpu.memref_squeeze %dma_wait3A_1022 : memref<1x2048xf32, #tpu.memory_space<vmem_shared>> -> memref<2048xf32, #tpu.memory_space<vmem_shared>>
          %dma_wait3A_1024 = arith.constant 0 : i32
          %dma_wait3A_1025 = tpu.memref_slice %arg10[%scan3A_119, %dma_wait3A_1024] : memref<16x2048xf32, #tpu.memory_space<vmem_shared>> -> memref<1x2048xf32, #tpu.memory_space<vmem_shared>>
          %dma_wait3A_1026 = tpu.memref_squeeze %dma_wait3A_1025 : memref<1x2048xf32, #tpu.memory_space<vmem_shared>> -> memref<2048xf32, #tpu.memory_space<vmem_shared>>
          tpu.wait_dma2 semaphore(%run_scoped3A : memref<!tpu.dma_semaphore, #tpu.memory_space<semaphore_mem>>) src(%dma_wait3A_1026 : memref<2048xf32, #tpu.memory_space<vmem_shared>>) dst(%arg8 : memref<2048xf32, #tpu.memory_space<vmem>>)
          tpu.yield
        }) : () -> ()
        %get3A = arith.constant 0 : index
        %get3A_120 = tpu.vector_load %arg7[%get3A] {strides = array<i32>} : memref<2048xf32, #tpu.memory_space<vmem>>, vector<16xf32>,
        %get3A_121 = arith.constant 0 : index
        %get3A_122 = tpu.vector_load %arg8[%get3A_121] {strides = array<i32>} : memref<2048xf32, #tpu.memory_space<vmem>>, vector<16xf32>,
        %add3A_123 = arith.addf %get3A_120, %get3A_122 : vector<16xf32>
        %swap3A_124 = arith.constant 0 : index
        %swap3A_125 = tpu.vector_load %arg7[%swap3A_124] {strides = array<i32>} : memref<2048xf32, #tpu.memory_space<vmem>>, vector<16xf32>,
        tpu.vector_store %arg7[%swap3A_124], %add3A_123 {strides = array<i32>} : memref<2048xf32, #tpu.memory_space<vmem>>, vector<16xf32>,
        %get3A_126 = arith.constant 16 : index
        %get3A_127 = tpu.vector_load %arg7[%get3A_126] {strides = array<i32>} : memref<2048xf32, #tpu.memory_space<vmem>>, vector<16xf32>,
        %get3A_128 = arith.constant 16 : index
        %get3A_129 = tpu.vector_load %arg8[%get3A_128] {strides = array<i32>} : memref<2048xf32, #tpu.memory_space<vmem>>, vector<16xf32>,
        %add3A_130 = arith.addf %get3A_127, %get3A_129 : vector<16xf32>
        %swap3A_131 = arith.constant 16 : index
        %swap3A_132 = tpu.vector_load %arg7[%swap3A_131] {strides = array<i32>} : memref<2048xf32, #tpu.memory_space<vmem>>, vector<16xf32>,
        tpu.vector_store %arg7[%swap3A_131], %add3A_130 {strides = array<i32>} : memref<2048xf32, #tpu.memory_space<vmem>>, vector<16xf32>,
        %get3A_133 = arith.constant 32 : index
        %get3A_134 = tpu.vector_load %arg7[%get3A_133] {strides = array<i32>} : memref<2048xf32, #tpu.memory_space<vmem>>, vector<16xf32>,
        %get3A_135 = arith.constant 32 : index
        %get3A_136 = tpu.vector_load %arg8[%get3A_135] {strides = array<i32>} : memref<2048xf32, #tpu.memory_space<vmem>>, vector<16xf32>,
        %add3A_137 = arith.addf %get3A_134, %get3A_136 : vector<16xf32>
        %swap3A_138 = arith.constant 32 : index
        %swap3A_139 = tpu.vector_load %arg7[%swap3A_138] {strides = array<i32>} : memref<2048xf32, #tpu.memory_space<vmem>>, vector<16xf32>,
        tpu.vector_store %arg7[%swap3A_138], %add3A_137 {strides = array<i32>} : memref<2048xf32, #tpu.memory_space<vmem>>, vector<16xf32>,
        %get3A_140 = arith.constant 48 : index
        %get3A_141 = tpu.vector_load %arg7[%get3A_140] {strides = array<i32>} : memref<2048xf32, #tpu.memory_space<vmem>>, vector<16xf32>,
        %get3A_142 = arith.constant 48 : index
        %get3A_143 = tpu.vector_load %arg8[%get3A_142] {strides = array<i32>} : memref<2048xf32, #tpu.memory_space<vmem>>, vector<16xf32>,
        %add3A_144 = arith.addf %get3A_141, %get3A_143 : vector<16xf32>
        %swap3A_145 = arith.constant 48 : index
        %swap3A_146 = tpu.vector_load %arg7[%swap3A_145] {strides = array<i32>} : memref<2048xf32, #tpu.memory_space<vmem>>, vector<16xf32>,
        tpu.vector_store %arg7[%swap3A_145], %add3A_144 {strides = array<i32>} : memref<2048xf32, #tpu.memory_space<vmem>>, vector<16xf32>,
        %get3A_147 = arith.constant 64 : index
        %get3A_148 = tpu.vector_load %arg7[%get3A_147] {strides = array<i32>} : memref<2048xf32, #tpu.memory_space<vmem>>, vector<16xf32>,
        %get3A_149 = arith.constant 64 : index
        %get3A_150 = tpu.vector_load %arg8[%get3A_149] {strides = array<i32>} : memref<2048xf32, #tpu.memory_space<vmem>>, vector<16xf32>,
        %add3A_151 = arith.addf %get3A_148, %get3A_150 : vector<16xf32>
        %swap3A_152 = arith.constant 64 : index
        %swap3A_153 = tpu.vector_load %arg7[%swap3A_152] {strides = array<i32>} : memref<2048xf32, #tpu.memory_space<vmem>>, vector<16xf32>,
        tpu.vector_store %arg7[%swap3A_152], %add3A_151 {strides = array<i32>} : memref<2048xf32, #tpu.memory_space<vmem>>, vector<16xf32>,
        %get3A_154 = arith.constant 80 : index
        %get3A_155 = tpu.vector_load %arg7[%get3A_154] {strides = array<i32>} : memref<2048xf32, #tpu.memory_space<vmem>>, vector<16xf32>,
        %get3A_156 = arith.constant 80 : index
        %get3A_157 = tpu.vector_load %arg8[%get3A_156] {strides = array<i32>} : memref<2048xf32, #tpu.memory_space<vmem>>, vector<16xf32>,
        %add3A_158 = arith.addf %get3A_155, %get3A_157 : vector<16xf32>
        %swap3A_159 = arith.constant 80 : index
        %swap3A_160 = tpu.vector_load %arg7[%swap3A_159] {strides = array<i32>} : memref<2048xf32, #tpu.memory_space<vmem>>, vector<16xf32>,
        tpu.vector_store %arg7[%swap3A_159], %add3A_158 {strides = array<i32>} : memref<2048xf32, #tpu.memory_space<vmem>>, vector<16xf32>,
        %get3A_161 = arith.constant 96 : index
        %get3A_162 = tpu.vector_load %arg7[%get3A_161] {strides = array<i32>} : memref<2048xf32, #tpu.memory_space<vmem>>, vector<16xf32>,
        %get3A_163 = arith.constant 96 : index
        %get3A_164 = tpu.vector_load %arg8[%get3A_163] {strides = array<i32>} : memref<2048xf32, #tpu.memory_space<vmem>>, vector<16xf32>,
        %add3A_165 = arith.addf %get3A_162, %get3A_164 : vector<16xf32>
        %swap3A_166 = arith.constant 96 : index
        %swap3A_167 = tpu.vector_load %arg7[%swap3A_166] {strides = array<i32>} : memref<2048xf32, #tpu.memory_space<vmem>>, vector<16xf32>,
        tpu.vector_store %arg7[%swap3A_166], %add3A_165 {strides = array<i32>} : memref<2048xf32, #tpu.memory_space<vmem>>, vector<16xf32>,
        %get3A_168 = arith.constant 112 : index
        %get3A_169 = tpu.vector_load %arg7[%get3A_168] {strides = array<i32>} : memref<2048xf32, #tpu.memory_space<vmem>>, vector<16xf32>,
        %get3A_170 = arith.constant 112 : index
        %get3A_171 = tpu.vector_load %arg8[%get3A_170] {strides = array<i32>} : memref<2048xf32, #tpu.memory_space<vmem>>, vector<16xf32>,
        %add3A_172 = arith.addf %get3A_169, %get3A_171 : vector<16xf32>
        %swap3A_173 = arith.constant 112 : index
        %swap3A_174 = tpu.vector_load %arg7[%swap3A_173] {strides = array<i32>} : memref<2048xf32, #tpu.memory_space<vmem>>, vector<16xf32>,
        tpu.vector_store %arg7[%swap3A_173], %add3A_172 {strides = array<i32>} : memref<2048xf32, #tpu.memory_space<vmem>>, vector<16xf32>,
        %get3A_175 = arith.constant 128 : index
        %get3A_176 = tpu.vector_load %arg7[%get3A_175] {strides = array<i32>} : memref<2048xf32, #tpu.memory_space<vmem>>, vector<16xf32>,
        %get3A_177 = arith.constant 128 : index
        %get3A_178 = tpu.vector_load %arg8[%get3A_177] {strides = array<i32>} : memref<2048xf32, #tpu.memory_space<vmem>>, vector<16xf32>,
        %add3A_179 = arith.addf %get3A_176, %get3A_178 : vector<16xf32>
        %swap3A_180 = arith.constant 128 : index
        %swap3A_181 = tpu.vector_load %arg7[%swap3A_180] {strides = array<i32>} : memref<2048xf32, #tpu.memory_space<vmem>>, vector<16xf32>,
        tpu.vector_store %arg7[%swap3A_180], %add3A_179 {strides = array<i32>} : memref<2048xf32, #tpu.memory_space<vmem>>, vector<16xf32>,
        %get3A_182 = arith.constant 144 : index
        %get3A_183 = tpu.vector_load %arg7[%get3A_182] {strides = array<i32>} : memref<2048xf32, #tpu.memory_space<vmem>>, vector<16xf32>,
        %get3A_184 = arith.constant 144 : index
        %get3A_185 = tpu.vector_load %arg8[%get3A_184] {strides = array<i32>} : memref<2048xf32, #tpu.memory_space<vmem>>, vector<16xf32>,
        %add3A_186 = arith.addf %get3A_183, %get3A_185 : vector<16xf32>
        %swap3A_187 = arith.constant 144 : index
        %swap3A_188 = tpu.vector_load %arg7[%swap3A_187] {strides = array<i32>} : memref<2048xf32, #tpu.memory_space<vmem>>, vector<16xf32>,
        tpu.vector_store %arg7[%swap3A_187], %add3A_186 {strides = array<i32>} : memref<2048xf32, #tpu.memory_space<vmem>>, vector<16xf32>,
        %get3A_189 = arith.constant 160 : index
        %get3A_190 = tpu.vector_load %arg7[%get3A_189] {strides = array<i32>} : memref<2048xf32, #tpu.memory_space<vmem>>, vector<16xf32>,
        %get3A_191 = arith.constant 160 : index
        %get3A_192 = tpu.vector_load %arg8[%get3A_191] {strides = array<i32>} : memref<2048xf32, #tpu.memory_space<vmem>>, vector<16xf32>,
        %add3A_193 = arith.addf %get3A_190, %get3A_192 : vector<16xf32>
        %swap3A_194 = arith.constant 160 : index
        %swap3A_195 = tpu.vector_load %arg7[%swap3A_194] {strides = array<i32>} : memref<2048xf32, #tpu.memory_space<vmem>>, vector<16xf32>,
        tpu.vector_store %arg7[%swap3A_194], %add3A_193 {strides = array<i32>} : memref<2048xf32, #tpu.memory_space<vmem>>, vector<16xf32>,
        %get3A_196 = arith.constant 176 : index
        %get3A_197 = tpu.vector_load %arg7[%get3A_196] {strides = array<i32>} : memref<2048xf32, #tpu.memory_space<vmem>>, vector<16xf32>,
        %get3A_198 = arith.constant 176 : index
        %get3A_199 = tpu.vector_load %arg8[%get3A_198] {strides = array<i32>} : memref<2048xf32, #tpu.memory_space<vmem>>, vector<16xf32>,
        %add3A_200 = arith.addf %get3A_197, %get3A_199 : vector<16xf32>
        %swap3A_201 = arith.constant 176 : index
        %swap3A_202 = tpu.vector_load %arg7[%swap3A_201] {strides = array<i32>} : memref<2048xf32, #tpu.memory_space<vmem>>, vector<16xf32>,
        tpu.vector_store %arg7[%swap3A_201], %add3A_200 {strides = array<i32>} : memref<2048xf32, #tpu.memory_space<vmem>>, vector<16xf32>,
        %get3A_203 = arith.constant 192 : index
        %get3A_204 = tpu.vector_load %arg7[%get3A_203] {strides = array<i32>} : memref<2048xf32, #tpu.memory_space<vmem>>, vector<16xf32>,
        %get3A_205 = arith.constant 192 : index
        %get3A_206 = tpu.vector_load %arg8[%get3A_205] {strides = array<i32>} : memref<2048xf32, #tpu.memory_space<vmem>>, vector<16xf32>,
        %add3A_207 = arith.addf %get3A_204, %get3A_206 : vector<16xf32>
        %swap3A_208 = arith.constant 192 : index
        %swap3A_209 = tpu.vector_load %arg7[%swap3A_208] {strides = array<i32>} : memref<2048xf32, #tpu.memory_space<vmem>>, vector<16xf32>,
        tpu.vector_store %arg7[%swap3A_208], %add3A_207 {strides = array<i32>} : memref<2048xf32, #tpu.memory_space<vmem>>, vector<16xf32>,
        %get3A_210 = arith.constant 208 : index
        %get3A_211 = tpu.vector_load %arg7[%get3A_210] {strides = array<i32>} : memref<2048xf32, #tpu.memory_space<vmem>>, vector<16xf32>,
        %get3A_212 = arith.constant 208 : index
        %get3A_213 = tpu.vector_load %arg8[%get3A_212] {strides = array<i32>} : memref<2048xf32, #tpu.memory_space<vmem>>, vector<16xf32>,
        %add3A_214 = arith.addf %get3A_211, %get3A_213 : vector<16xf32>
        %swap3A_215 = arith.constant 208 : index
        %swap3A_216 = tpu.vector_load %arg7[%swap3A_215] {strides = array<i32>} : memref<2048xf32, #tpu.memory_space<vmem>>, vector<16xf32>,
        tpu.vector_store %arg7[%swap3A_215], %add3A_214 {strides = array<i32>} : memref<2048xf32, #tpu.memory_space<vmem>>, vector<16xf32>,
        %get3A_217 = arith.constant 224 : index
        %get3A_218 = tpu.vector_load %arg7[%get3A_217] {strides = array<i32>} : memref<2048xf32, #tpu.memory_space<vmem>>, vector<16xf32>,
        %get3A_219 = arith.constant 224 : index
        %get3A_220 = tpu.vector_load %arg8[%get3A_219] {strides = array<i32>} : memref<2048xf32, #tpu.memory_space<vmem>>, vector<16xf32>,
        %add3A_221 = arith.addf %get3A_218, %get3A_220 : vector<16xf32>
        %swap3A_222 = arith.constant 224 : index
        %swap3A_223 = tpu.vector_load %arg7[%swap3A_222] {strides = array<i32>} : memref<2048xf32, #tpu.memory_space<vmem>>, vector<16xf32>,
        tpu.vector_store %arg7[%swap3A_222], %add3A_221 {strides = array<i32>} : memref<2048xf32, #tpu.memory_space<vmem>>, vector<16xf32>,
        %get3A_224 = arith.constant 240 : index
        %get3A_225 = tpu.vector_load %arg7[%get3A_224] {strides = array<i32>} : memref<2048xf32, #tpu.memory_space<vmem>>, vector<16xf32>,
        %get3A_226 = arith.constant 240 : index
        %get3A_227 = tpu.vector_load %arg8[%get3A_226] {strides = array<i32>} : memref<2048xf32, #tpu.memory_space<vmem>>, vector<16xf32>,
        %add3A_228 = arith.addf %get3A_225, %get3A_227 : vector<16xf32>
        %swap3A_229 = arith.constant 240 : index
        %swap3A_230 = tpu.vector_load %arg7[%swap3A_229] {strides = array<i32>} : memref<2048xf32, #tpu.memory_space<vmem>>, vector<16xf32>,
        tpu.vector_store %arg7[%swap3A_229], %add3A_228 {strides = array<i32>} : memref<2048xf32, #tpu.memory_space<vmem>>, vector<16xf32>,
        %get3A_231 = arith.constant 256 : index
        %get3A_232 = tpu.vector_load %arg7[%get3A_231] {strides = array<i32>} : memref<2048xf32, #tpu.memory_space<vmem>>, vector<16xf32>,
        %get3A_233 = arith.constant 256 : index
        %get3A_234 = tpu.vector_load %arg8[%get3A_233] {strides = array<i32>} : memref<2048xf32, #tpu.memory_space<vmem>>, vector<16xf32>,
        %add3A_235 = arith.addf %get3A_232, %get3A_234 : vector<16xf32>
        %swap3A_236 = arith.constant 256 : index
        %swap3A_237 = tpu.vector_load %arg7[%swap3A_236] {strides = array<i32>} : memref<2048xf32, #tpu.memory_space<vmem>>, vector<16xf32>,
        tpu.vector_store %arg7[%swap3A_236], %add3A_235 {strides = array<i32>} : memref<2048xf32, #tpu.memory_space<vmem>>, vector<16xf32>,
        %get3A_238 = arith.constant 272 : index
        %get3A_239 = tpu.vector_load %arg7[%get3A_238] {strides = array<i32>} : memref<2048xf32, #tpu.memory_space<vmem>>, vector<16xf32>,
        %get3A_240 = arith.constant 272 : index
        %get3A_241 = tpu.vector_load %arg8[%get3A_240] {strides = array<i32>} : memref<2048xf32, #tpu.memory_space<vmem>>, vector<16xf32>,
        %add3A_242 = arith.addf %get3A_239, %get3A_241 : vector<16xf32>
        %swap3A_243 = arith.constant 272 : index
        %swap3A_244 = tpu.vector_load %arg7[%swap3A_243] {strides = array<i32>} : memref<2048xf32, #tpu.memory_space<vmem>>, vector<16xf32>,
        tpu.vector_store %arg7[%swap3A_243], %add3A_242 {strides = array<i32>} : memref<2048xf32, #tpu.memory_space<vmem>>, vector<16xf32>,
        %get3A_245 = arith.constant 288 : index
        %get3A_246 = tpu.vector_load %arg7[%get3A_245] {strides = array<i32>} : memref<2048xf32, #tpu.memory_space<vmem>>, vector<16xf32>,
        %get3A_247 = arith.constant 288 : index
        %get3A_248 = tpu.vector_load %arg8[%get3A_247] {strides = array<i32>} : memref<2048xf32, #tpu.memory_space<vmem>>, vector<16xf32>,
        %add3A_249 = arith.addf %get3A_246, %get3A_248 : vector<16xf32>
        %swap3A_250 = arith.constant 288 : index
        %swap3A_251 = tpu.vector_load %arg7[%swap3A_250] {strides = array<i32>} : memref<2048xf32, #tpu.memory_space<vmem>>, vector<16xf32>,
        tpu.vector_store %arg7[%swap3A_250], %add3A_249 {strides = array<i32>} : memref<2048xf32, #tpu.memory_space<vmem>>, vector<16xf32>,
        %get3A_252 = arith.constant 304 : index
        %get3A_253 = tpu.vector_load %arg7[%get3A_252] {strides = array<i32>} : memref<2048xf32, #tpu.memory_space<vmem>>, vector<16xf32>,
        %get3A_254 = arith.constant 304 : index
        %get3A_255 = tpu.vector_load %arg8[%get3A_254] {strides = array<i32>} : memref<2048xf32, #tpu.memory_space<vmem>>, vector<16xf32>,
        %add3A_256 = arith.addf %get3A_253, %get3A_255 : vector<16xf32>
        %swap3A_257 = arith.constant 304 : index
        %swap3A_258 = tpu.vector_load %arg7[%swap3A_257] {strides = array<i32>} : memref<2048xf32, #tpu.memory_space<vmem>>, vector<16xf32>,
        tpu.vector_store %arg7[%swap3A_257], %add3A_256 {strides = array<i32>} : memref<2048xf32, #tpu.memory_space<vmem>>, vector<16xf32>,
        %get3A_259 = arith.constant 320 : index
        %get3A_260 = tpu.vector_load %arg7[%get3A_259] {strides = array<i32>} : memref<2048xf32, #tpu.memory_space<vmem>>, vector<16xf32>,
        %get3A_261 = arith.constant 320 : index
        %get3A_262 = tpu.vector_load %arg8[%get3A_261] {strides = array<i32>} : memref<2048xf32, #tpu.memory_space<vmem>>, vector<16xf32>,
        %add3A_263 = arith.addf %get3A_260, %get3A_262 : vector<16xf32>
        %swap3A_264 = arith.constant 320 : index
        %swap3A_265 = tpu.vector_load %arg7[%swap3A_264] {strides = array<i32>} : memref<2048xf32, #tpu.memory_space<vmem>>, vector<16xf32>,
        tpu.vector_store %arg7[%swap3A_264], %add3A_263 {strides = array<i32>} : memref<2048xf32, #tpu.memory_space<vmem>>, vector<16xf32>,
        %get3A_266 = arith.constant 336 : index
        %get3A_267 = tpu.vector_load %arg7[%get3A_266] {strides = array<i32>} : memref<2048xf32, #tpu.memory_space<vmem>>, vector<16xf32>,
        %get3A_268 = arith.constant 336 : index
        %get3A_269 = tpu.vector_load %arg8[%get3A_268] {strides = array<i32>} : memref<2048xf32, #tpu.memory_space<vmem>>, vector<16xf32>,
        %add3A_270 = arith.addf %get3A_267, %get3A_269 : vector<16xf32>
        %swap3A_271 = arith.constant 336 : index
        %swap3A_272 = tpu.vector_load %arg7[%swap3A_271] {strides = array<i32>} : memref<2048xf32, #tpu.memory_space<vmem>>, vector<16xf32>,
        tpu.vector_store %arg7[%swap3A_271], %add3A_270 {strides = array<i32>} : memref<2048xf32, #tpu.memory_space<vmem>>, vector<16xf32>,
        %get3A_273 = arith.constant 352 : index
        %get3A_274 = tpu.vector_load %arg7[%get3A_273] {strides = array<i32>} : memref<2048xf32, #tpu.memory_space<vmem>>, vector<16xf32>,
        %get3A_275 = arith.constant 352 : index
        %get3A_276 = tpu.vector_load %arg8[%get3A_275] {strides = array<i32>} : memref<2048xf32, #tpu.memory_space<vmem>>, vector<16xf32>,
        %add3A_277 = arith.addf %get3A_274, %get3A_276 : vector<16xf32>
        %swap3A_278 = arith.constant 352 : index
        %swap3A_279 = tpu.vector_load %arg7[%swap3A_278] {strides = array<i32>} : memref<2048xf32, #tpu.memory_space<vmem>>, vector<16xf32>,
        tpu.vector_store %arg7[%swap3A_278], %add3A_277 {strides = array<i32>} : memref<2048xf32, #tpu.memory_space<vmem>>, vector<16xf32>,
        %get3A_280 = arith.constant 368 : index
        %get3A_281 = tpu.vector_load %arg7[%get3A_280] {strides = array<i32>} : memref<2048xf32, #tpu.memory_space<vmem>>, vector<16xf32>,
        %get3A_282 = arith.constant 368 : index
        %get3A_283 = tpu.vector_load %arg8[%get3A_282] {strides = array<i32>} : memref<2048xf32, #tpu.memory_space<vmem>>, vector<16xf32>,
        %add3A_284 = arith.addf %get3A_281, %get3A_283 : vector<16xf32>
        %swap3A_285 = arith.constant 368 : index
        %swap3A_286 = tpu.vector_load %arg7[%swap3A_285] {strides = array<i32>} : memref<2048xf32, #tpu.memory_space<vmem>>, vector<16xf32>,
        tpu.vector_store %arg7[%swap3A_285], %add3A_284 {strides = array<i32>} : memref<2048xf32, #tpu.memory_space<vmem>>, vector<16xf32>,
        %get3A_287 = arith.constant 384 : index
        %get3A_288 = tpu.vector_load %arg7[%get3A_287] {strides = array<i32>} : memref<2048xf32, #tpu.memory_space<vmem>>, vector<16xf32>,
        %get3A_289 = arith.constant 384 : index
        %get3A_290 = tpu.vector_load %arg8[%get3A_289] {strides = array<i32>} : memref<2048xf32, #tpu.memory_space<vmem>>, vector<16xf32>,
        %add3A_291 = arith.addf %get3A_288, %get3A_290 : vector<16xf32>
        %swap3A_292 = arith.constant 384 : index
        %swap3A_293 = tpu.vector_load %arg7[%swap3A_292] {strides = array<i32>} : memref<2048xf32, #tpu.memory_space<vmem>>, vector<16xf32>,
        tpu.vector_store %arg7[%swap3A_292], %add3A_291 {strides = array<i32>} : memref<2048xf32, #tpu.memory_space<vmem>>, vector<16xf32>,
        %get3A_294 = arith.constant 400 : index
        %get3A_295 = tpu.vector_load %arg7[%get3A_294] {strides = array<i32>} : memref<2048xf32, #tpu.memory_space<vmem>>, vector<16xf32>,
        %get3A_296 = arith.constant 400 : index
        %get3A_297 = tpu.vector_load %arg8[%get3A_296] {strides = array<i32>} : memref<2048xf32, #tpu.memory_space<vmem>>, vector<16xf32>,
        %add3A_298 = arith.addf %get3A_295, %get3A_297 : vector<16xf32>
        %swap3A_299 = arith.constant 400 : index
        %swap3A_300 = tpu.vector_load %arg7[%swap3A_299] {strides = array<i32>} : memref<2048xf32, #tpu.memory_space<vmem>>, vector<16xf32>,
        tpu.vector_store %arg7[%swap3A_299], %add3A_298 {strides = array<i32>} : memref<2048xf32, #tpu.memory_space<vmem>>, vector<16xf32>,
        %get3A_301 = arith.constant 416 : index
        %get3A_302 = tpu.vector_load %arg7[%get3A_301] {strides = array<i32>} : memref<2048xf32, #tpu.memory_space<vmem>>, vector<16xf32>,
        %get3A_303 = arith.constant 416 : index
        %get3A_304 = tpu.vector_load %arg8[%get3A_303] {strides = array<i32>} : memref<2048xf32, #tpu.memory_space<vmem>>, vector<16xf32>,
        %add3A_305 = arith.addf %get3A_302, %get3A_304 : vector<16xf32>
        %swap3A_306 = arith.constant 416 : index
        %swap3A_307 = tpu.vector_load %arg7[%swap3A_306] {strides = array<i32>} : memref<2048xf32, #tpu.memory_space<vmem>>, vector<16xf32>,
        tpu.vector_store %arg7[%swap3A_306], %add3A_305 {strides = array<i32>} : memref<2048xf32, #tpu.memory_space<vmem>>, vector<16xf32>,
        %get3A_308 = arith.constant 432 : index
        %get3A_309 = tpu.vector_load %arg7[%get3A_308] {strides = array<i32>} : memref<2048xf32, #tpu.memory_space<vmem>>, vector<16xf32>,
        %get3A_310 = arith.constant 432 : index
        %get3A_311 = tpu.vector_load %arg8[%get3A_310] {strides = array<i32>} : memref<2048xf32, #tpu.memory_space<vmem>>, vector<16xf32>,
        %add3A_312 = arith.addf %get3A_309, %get3A_311 : vector<16xf32>
        %swap3A_313 = arith.constant 432 : index
        %swap3A_314 = tpu.vector_load %arg7[%swap3A_313] {strides = array<i32>} : memref<2048xf32, #tpu.memory_space<vmem>>, vector<16xf32>,
        tpu.vector_store %arg7[%swap3A_313], %add3A_312 {strides = array<i32>} : memref<2048xf32, #tpu.memory_space<vmem>>, vector<16xf32>,
        %get3A_315 = arith.constant 448 : index
        %get3A_316 = tpu.vector_load %arg7[%get3A_315] {strides = array<i32>} : memref<2048xf32, #tpu.memory_space<vmem>>, vector<16xf32>,
        %get3A_317 = arith.constant 448 : index
        %get3A_318 = tpu.vector_load %arg8[%get3A_317] {strides = array<i32>} : memref<2048xf32, #tpu.memory_space<vmem>>, vector<16xf32>,
        %add3A_319 = arith.addf %get3A_316, %get3A_318 : vector<16xf32>
        %swap3A_320 = arith.constant 448 : index
        %swap3A_321 = tpu.vector_load %arg7[%swap3A_320] {strides = array<i32>} : memref<2048xf32, #tpu.memory_space<vmem>>, vector<16xf32>,
        tpu.vector_store %arg7[%swap3A_320], %add3A_319 {strides = array<i32>} : memref<2048xf32, #tpu.memory_space<vmem>>, vector<16xf32>,
        %get3A_322 = arith.constant 464 : index
        %get3A_323 = tpu.vector_load %arg7[%get3A_322] {strides = array<i32>} : memref<2048xf32, #tpu.memory_space<vmem>>, vector<16xf32>,
        %get3A_324 = arith.constant 464 : index
        %get3A_325 = tpu.vector_load %arg8[%get3A_324] {strides = array<i32>} : memref<2048xf32, #tpu.memory_space<vmem>>, vector<16xf32>,
        %add3A_326 = arith.addf %get3A_323, %get3A_325 : vector<16xf32>
        %swap3A_327 = arith.constant 464 : index
        %swap3A_328 = tpu.vector_load %arg7[%swap3A_327] {strides = array<i32>} : memref<2048xf32, #tpu.memory_space<vmem>>, vector<16xf32>,
        tpu.vector_store %arg7[%swap3A_327], %add3A_326 {strides = array<i32>} : memref<2048xf32, #tpu.memory_space<vmem>>, vector<16xf32>,
        %get3A_329 = arith.constant 480 : index
        %get3A_330 = tpu.vector_load %arg7[%get3A_329] {strides = array<i32>} : memref<2048xf32, #tpu.memory_space<vmem>>, vector<16xf32>,
        %get3A_331 = arith.constant 480 : index
        %get3A_332 = tpu.vector_load %arg8[%get3A_331] {strides = array<i32>} : memref<2048xf32, #tpu.memory_space<vmem>>, vector<16xf32>,
        %add3A_333 = arith.addf %get3A_330, %get3A_332 : vector<16xf32>
        %swap3A_334 = arith.constant 480 : index
        %swap3A_335 = tpu.vector_load %arg7[%swap3A_334] {strides = array<i32>} : memref<2048xf32, #tpu.memory_space<vmem>>, vector<16xf32>,
        tpu.vector_store %arg7[%swap3A_334], %add3A_333 {strides = array<i32>} : memref<2048xf32, #tpu.memory_space<vmem>>, vector<16xf32>,
        %get3A_336 = arith.constant 496 : index
        %get3A_337 = tpu.vector_load %arg7[%get3A_336] {strides = array<i32>} : memref<2048xf32, #tpu.memory_space<vmem>>, vector<16xf32>,
        %get3A_338 = arith.constant 496 : index
        %get3A_339 = tpu.vector_load %arg8[%get3A_338] {strides = array<i32>} : memref<2048xf32, #tpu.memory_space<vmem>>, vector<16xf32>,
        %add3A_340 = arith.addf %get3A_337, %get3A_339 : vector<16xf32>
        %swap3A_341 = arith.constant 496 : index
        %swap3A_342 = tpu.vector_load %arg7[%swap3A_341] {strides = array<i32>} : memref<2048xf32, #tpu.memory_space<vmem>>, vector<16xf32>,
        tpu.vector_store %arg7[%swap3A_341], %add3A_340 {strides = array<i32>} : memref<2048xf32, #tpu.memory_space<vmem>>, vector<16xf32>,
        %get3A_343 = arith.constant 512 : index
        %get3A_344 = tpu.vector_load %arg7[%get3A_343] {strides = array<i32>} : memref<2048xf32, #tpu.memory_space<vmem>>, vector<16xf32>,
        %get3A_345 = arith.constant 512 : index
        %get3A_346 = tpu.vector_load %arg8[%get3A_345] {strides = array<i32>} : memref<2048xf32, #tpu.memory_space<vmem>>, vector<16xf32>,
        %add3A_347 = arith.addf %get3A_344, %get3A_346 : vector<16xf32>
        %swap3A_348 = arith.constant 512 : index
        %swap3A_349 = tpu.vector_load %arg7[%swap3A_348] {strides = array<i32>} : memref<2048xf32, #tpu.memory_space<vmem>>, vector<16xf32>,
        tpu.vector_store %arg7[%swap3A_348], %add3A_347 {strides = array<i32>} : memref<2048xf32, #tpu.memory_space<vmem>>, vector<16xf32>,
        %get3A_350 = arith.constant 528 : index
        %get3A_351 = tpu.vector_load %arg7[%get3A_350] {strides = array<i32>} : memref<2048xf32, #tpu.memory_space<vmem>>, vector<16xf32>,
        %get3A_352 = arith.constant 528 : index
        %get3A_353 = tpu.vector_load %arg8[%get3A_352] {strides = array<i32>} : memref<2048xf32, #tpu.memory_space<vmem>>, vector<16xf32>,
        %add3A_354 = arith.addf %get3A_351, %get3A_353 : vector<16xf32>
        %swap3A_355 = arith.constant 528 : index
        %swap3A_356 = tpu.vector_load %arg7[%swap3A_355] {strides = array<i32>} : memref<2048xf32, #tpu.memory_space<vmem>>, vector<16xf32>,
        tpu.vector_store %arg7[%swap3A_355], %add3A_354 {strides = array<i32>} : memref<2048xf32, #tpu.memory_space<vmem>>, vector<16xf32>,
        %get3A_357 = arith.constant 544 : index
        %get3A_358 = tpu.vector_load %arg7[%get3A_357] {strides = array<i32>} : memref<2048xf32, #tpu.memory_space<vmem>>, vector<16xf32>,
        %get3A_359 = arith.constant 544 : index
        %get3A_360 = tpu.vector_load %arg8[%get3A_359] {strides = array<i32>} : memref<2048xf32, #tpu.memory_space<vmem>>, vector<16xf32>,
        %add3A_361 = arith.addf %get3A_358, %get3A_360 : vector<16xf32>
        %swap3A_362 = arith.constant 544 : index
        %swap3A_363 = tpu.vector_load %arg7[%swap3A_362] {strides = array<i32>} : memref<2048xf32, #tpu.memory_space<vmem>>, vector<16xf32>,
        tpu.vector_store %arg7[%swap3A_362], %add3A_361 {strides = array<i32>} : memref<2048xf32, #tpu.memory_space<vmem>>, vector<16xf32>,
        %get3A_364 = arith.constant 560 : index
        %get3A_365 = tpu.vector_load %arg7[%get3A_364] {strides = array<i32>} : memref<2048xf32, #tpu.memory_space<vmem>>, vector<16xf32>,
        %get3A_366 = arith.constant 560 : index
        %get3A_367 = tpu.vector_load %arg8[%get3A_366] {strides = array<i32>} : memref<2048xf32, #tpu.memory_space<vmem>>, vector<16xf32>,
        %add3A_368 = arith.addf %get3A_365, %get3A_367 : vector<16xf32>
        %swap3A_369 = arith.constant 560 : index
        %swap3A_370 = tpu.vector_load %arg7[%swap3A_369] {strides = array<i32>} : memref<2048xf32, #tpu.memory_space<vmem>>, vector<16xf32>,
        tpu.vector_store %arg7[%swap3A_369], %add3A_368 {strides = array<i32>} : memref<2048xf32, #tpu.memory_space<vmem>>, vector<16xf32>,
        %get3A_371 = arith.constant 576 : index
        %get3A_372 = tpu.vector_load %arg7[%get3A_371] {strides = array<i32>} : memref<2048xf32, #tpu.memory_space<vmem>>, vector<16xf32>,
        %get3A_373 = arith.constant 576 : index
        %get3A_374 = tpu.vector_load %arg8[%get3A_373] {strides = array<i32>} : memref<2048xf32, #tpu.memory_space<vmem>>, vector<16xf32>,
        %add3A_375 = arith.addf %get3A_372, %get3A_374 : vector<16xf32>
        %swap3A_376 = arith.constant 576 : index
        %swap3A_377 = tpu.vector_load %arg7[%swap3A_376] {strides = array<i32>} : memref<2048xf32, #tpu.memory_space<vmem>>, vector<16xf32>,
        tpu.vector_store %arg7[%swap3A_376], %add3A_375 {strides = array<i32>} : memref<2048xf32, #tpu.memory_space<vmem>>, vector<16xf32>,
        %get3A_378 = arith.constant 592 : index
        %get3A_379 = tpu.vector_load %arg7[%get3A_378] {strides = array<i32>} : memref<2048xf32, #tpu.memory_space<vmem>>, vector<16xf32>,
        %get3A_380 = arith.constant 592 : index
        %get3A_381 = tpu.vector_load %arg8[%get3A_380] {strides = array<i32>} : memref<2048xf32, #tpu.memory_space<vmem>>, vector<16xf32>,
        %add3A_382 = arith.addf %get3A_379, %get3A_381 : vector<16xf32>
        %swap3A_383 = arith.constant 592 : index
        %swap3A_384 = tpu.vector_load %arg7[%swap3A_383] {strides = array<i32>} : memref<2048xf32, #tpu.memory_space<vmem>>, vector<16xf32>,
        tpu.vector_store %arg7[%swap3A_383], %add3A_382 {strides = array<i32>} : memref<2048xf32, #tpu.memory_space<vmem>>, vector<16xf32>,
        %get3A_385 = arith.constant 608 : index
        %get3A_386 = tpu.vector_load %arg7[%get3A_385] {strides = array<i32>} : memref<2048xf32, #tpu.memory_space<vmem>>, vector<16xf32>,
        %get3A_387 = arith.constant 608 : index
        %get3A_388 = tpu.vector_load %arg8[%get3A_387] {strides = array<i32>} : memref<2048xf32, #tpu.memory_space<vmem>>, vector<16xf32>,
        %add3A_389 = arith.addf %get3A_386, %get3A_388 : vector<16xf32>
        %swap3A_390 = arith.constant 608 : index
        %swap3A_391 = tpu.vector_load %arg7[%swap3A_390] {strides = array<i32>} : memref<2048xf32, #tpu.memory_space<vmem>>, vector<16xf32>,
        tpu.vector_store %arg7[%swap3A_390], %add3A_389 {strides = array<i32>} : memref<2048xf32, #tpu.memory_space<vmem>>, vector<16xf32>,
        %get3A_392 = arith.constant 624 : index
        %get3A_393 = tpu.vector_load %arg7[%get3A_392] {strides = array<i32>} : memref<2048xf32, #tpu.memory_space<vmem>>, vector<16xf32>,
        %get3A_394 = arith.constant 624 : index
        %get3A_395 = tpu.vector_load %arg8[%get3A_394] {strides = array<i32>} : memref<2048xf32, #tpu.memory_space<vmem>>, vector<16xf32>,
        %add3A_396 = arith.addf %get3A_393, %get3A_395 : vector<16xf32>
        %swap3A_397 = arith.constant 624 : index
        %swap3A_398 = tpu.vector_load %arg7[%swap3A_397] {strides = array<i32>} : memref<2048xf32, #tpu.memory_space<vmem>>, vector<16xf32>,
        tpu.vector_store %arg7[%swap3A_397], %add3A_396 {strides = array<i32>} : memref<2048xf32, #tpu.memory_space<vmem>>, vector<16xf32>,
        %get3A_399 = arith.constant 640 : index
        %get3A_400 = tpu.vector_load %arg7[%get3A_399] {strides = array<i32>} : memref<2048xf32, #tpu.memory_space<vmem>>, vector<16xf32>,
        %get3A_401 = arith.constant 640 : index
        %get3A_402 = tpu.vector_load %arg8[%get3A_401] {strides = array<i32>} : memref<2048xf32, #tpu.memory_space<vmem>>, vector<16xf32>,
        %add3A_403 = arith.addf %get3A_400, %get3A_402 : vector<16xf32>
        %swap3A_404 = arith.constant 640 : index
        %swap3A_405 = tpu.vector_load %arg7[%swap3A_404] {strides = array<i32>} : memref<2048xf32, #tpu.memory_space<vmem>>, vector<16xf32>,
        tpu.vector_store %arg7[%swap3A_404], %add3A_403 {strides = array<i32>} : memref<2048xf32, #tpu.memory_space<vmem>>, vector<16xf32>,
        %get3A_406 = arith.constant 656 : index
        %get3A_407 = tpu.vector_load %arg7[%get3A_406] {strides = array<i32>} : memref<2048xf32, #tpu.memory_space<vmem>>, vector<16xf32>,
        %get3A_408 = arith.constant 656 : index
        %get3A_409 = tpu.vector_load %arg8[%get3A_408] {strides = array<i32>} : memref<2048xf32, #tpu.memory_space<vmem>>, vector<16xf32>,
        %add3A_410 = arith.addf %get3A_407, %get3A_409 : vector<16xf32>
        %swap3A_411 = arith.constant 656 : index
        %swap3A_412 = tpu.vector_load %arg7[%swap3A_411] {strides = array<i32>} : memref<2048xf32, #tpu.memory_space<vmem>>, vector<16xf32>,
        tpu.vector_store %arg7[%swap3A_411], %add3A_410 {strides = array<i32>} : memref<2048xf32, #tpu.memory_space<vmem>>, vector<16xf32>,
        %get3A_413 = arith.constant 672 : index
        %get3A_414 = tpu.vector_load %arg7[%get3A_413] {strides = array<i32>} : memref<2048xf32, #tpu.memory_space<vmem>>, vector<16xf32>,
        %get3A_415 = arith.constant 672 : index
        %get3A_416 = tpu.vector_load %arg8[%get3A_415] {strides = array<i32>} : memref<2048xf32, #tpu.memory_space<vmem>>, vector<16xf32>,
        %add3A_417 = arith.addf %get3A_414, %get3A_416 : vector<16xf32>
        %swap3A_418 = arith.constant 672 : index
        %swap3A_419 = tpu.vector_load %arg7[%swap3A_418] {strides = array<i32>} : memref<2048xf32, #tpu.memory_space<vmem>>, vector<16xf32>,
        tpu.vector_store %arg7[%swap3A_418], %add3A_417 {strides = array<i32>} : memref<2048xf32, #tpu.memory_space<vmem>>, vector<16xf32>,
        %get3A_420 = arith.constant 688 : index
        %get3A_421 = tpu.vector_load %arg7[%get3A_420] {strides = array<i32>} : memref<2048xf32, #tpu.memory_space<vmem>>, vector<16xf32>,
        %get3A_422 = arith.constant 688 : index
        %get3A_423 = tpu.vector_load %arg8[%get3A_422] {strides = array<i32>} : memref<2048xf32, #tpu.memory_space<vmem>>, vector<16xf32>,
        %add3A_424 = arith.addf %get3A_421, %get3A_423 : vector<16xf32>
        %swap3A_425 = arith.constant 688 : index
        %swap3A_426 = tpu.vector_load %arg7[%swap3A_425] {strides = array<i32>} : memref<2048xf32, #tpu.memory_space<vmem>>, vector<16xf32>,
        tpu.vector_store %arg7[%swap3A_425], %add3A_424 {strides = array<i32>} : memref<2048xf32, #tpu.memory_space<vmem>>, vector<16xf32>,
        %get3A_427 = arith.constant 704 : index
        %get3A_428 = tpu.vector_load %arg7[%get3A_427] {strides = array<i32>} : memref<2048xf32, #tpu.memory_space<vmem>>, vector<16xf32>,
        %get3A_429 = arith.constant 704 : index
        %get3A_430 = tpu.vector_load %arg8[%get3A_429] {strides = array<i32>} : memref<2048xf32, #tpu.memory_space<vmem>>, vector<16xf32>,
        %add3A_431 = arith.addf %get3A_428, %get3A_430 : vector<16xf32>
        %swap3A_432 = arith.constant 704 : index
        %swap3A_433 = tpu.vector_load %arg7[%swap3A_432] {strides = array<i32>} : memref<2048xf32, #tpu.memory_space<vmem>>, vector<16xf32>,
        tpu.vector_store %arg7[%swap3A_432], %add3A_431 {strides = array<i32>} : memref<2048xf32, #tpu.memory_space<vmem>>, vector<16xf32>,
        %get3A_434 = arith.constant 720 : index
        %get3A_435 = tpu.vector_load %arg7[%get3A_434] {strides = array<i32>} : memref<2048xf32, #tpu.memory_space<vmem>>, vector<16xf32>,
        %get3A_436 = arith.constant 720 : index
        %get3A_437 = tpu.vector_load %arg8[%get3A_436] {strides = array<i32>} : memref<2048xf32, #tpu.memory_space<vmem>>, vector<16xf32>,
        %add3A_438 = arith.addf %get3A_435, %get3A_437 : vector<16xf32>
        %swap3A_439 = arith.constant 720 : index
        %swap3A_440 = tpu.vector_load %arg7[%swap3A_439] {strides = array<i32>} : memref<2048xf32, #tpu.memory_space<vmem>>, vector<16xf32>,
        tpu.vector_store %arg7[%swap3A_439], %add3A_438 {strides = array<i32>} : memref<2048xf32, #tpu.memory_space<vmem>>, vector<16xf32>,
        %get3A_441 = arith.constant 736 : index
        %get3A_442 = tpu.vector_load %arg7[%get3A_441] {strides = array<i32>} : memref<2048xf32, #tpu.memory_space<vmem>>, vector<16xf32>,
        %get3A_443 = arith.constant 736 : index
        %get3A_444 = tpu.vector_load %arg8[%get3A_443] {strides = array<i32>} : memref<2048xf32, #tpu.memory_space<vmem>>, vector<16xf32>,
        %add3A_445 = arith.addf %get3A_442, %get3A_444 : vector<16xf32>
        %swap3A_446 = arith.constant 736 : index
        %swap3A_447 = tpu.vector_load %arg7[%swap3A_446] {strides = array<i32>} : memref<2048xf32, #tpu.memory_space<vmem>>, vector<16xf32>,
        tpu.vector_store %arg7[%swap3A_446], %add3A_445 {strides = array<i32>} : memref<2048xf32, #tpu.memory_space<vmem>>, vector<16xf32>,
        %get3A_448 = arith.constant 752 : index
        %get3A_449 = tpu.vector_load %arg7[%get3A_448] {strides = array<i32>} : memref<2048xf32, #tpu.memory_space<vmem>>, vector<16xf32>,
        %get3A_450 = arith.constant 752 : index
        %get3A_451 = tpu.vector_load %arg8[%get3A_450] {strides = array<i32>} : memref<2048xf32, #tpu.memory_space<vmem>>, vector<16xf32>,
        %add3A_452 = arith.addf %get3A_449, %get3A_451 : vector<16xf32>
        %swap3A_453 = arith.constant 752 : index
        %swap3A_454 = tpu.vector_load %arg7[%swap3A_453] {strides = array<i32>} : memref<2048xf32, #tpu.memory_space<vmem>>, vector<16xf32>,
        tpu.vector_store %arg7[%swap3A_453], %add3A_452 {strides = array<i32>} : memref<2048xf32, #tpu.memory_space<vmem>>, vector<16xf32>,
        %get3A_455 = arith.constant 768 : index
        %get3A_456 = tpu.vector_load %arg7[%get3A_455] {strides = array<i32>} : memref<2048xf32, #tpu.memory_space<vmem>>, vector<16xf32>,
        %get3A_457 = arith.constant 768 : index
        %get3A_458 = tpu.vector_load %arg8[%get3A_457] {strides = array<i32>} : memref<2048xf32, #tpu.memory_space<vmem>>, vector<16xf32>,
        %add3A_459 = arith.addf %get3A_456, %get3A_458 : vector<16xf32>
        %swap3A_460 = arith.constant 768 : index
        %swap3A_461 = tpu.vector_load %arg7[%swap3A_460] {strides = array<i32>} : memref<2048xf32, #tpu.memory_space<vmem>>, vector<16xf32>,
        tpu.vector_store %arg7[%swap3A_460], %add3A_459 {strides = array<i32>} : memref<2048xf32, #tpu.memory_space<vmem>>, vector<16xf32>,
        %get3A_462 = arith.constant 784 : index
        %get3A_463 = tpu.vector_load %arg7[%get3A_462] {strides = array<i32>} : memref<2048xf32, #tpu.memory_space<vmem>>, vector<16xf32>,
        %get3A_464 = arith.constant 784 : index
        %get3A_465 = tpu.vector_load %arg8[%get3A_464] {strides = array<i32>} : memref<2048xf32, #tpu.memory_space<vmem>>, vector<16xf32>,
        %add3A_466 = arith.addf %get3A_463, %get3A_465 : vector<16xf32>
        %swap3A_467 = arith.constant 784 : index
        %swap3A_468 = tpu.vector_load %arg7[%swap3A_467] {strides = array<i32>} : memref<2048xf32, #tpu.memory_space<vmem>>, vector<16xf32>,
        tpu.vector_store %arg7[%swap3A_467], %add3A_466 {strides = array<i32>} : memref<2048xf32, #tpu.memory_space<vmem>>, vector<16xf32>,
        %get3A_469 = arith.constant 800 : index
        %get3A_470 = tpu.vector_load %arg7[%get3A_469] {strides = array<i32>} : memref<2048xf32, #tpu.memory_space<vmem>>, vector<16xf32>,
        %get3A_471 = arith.constant 800 : index
        %get3A_472 = tpu.vector_load %arg8[%get3A_471] {strides = array<i32>} : memref<2048xf32, #tpu.memory_space<vmem>>, vector<16xf32>,
        %add3A_473 = arith.addf %get3A_470, %get3A_472 : vector<16xf32>
        %swap3A_474 = arith.constant 800 : index
        %swap3A_475 = tpu.vector_load %arg7[%swap3A_474] {strides = array<i32>} : memref<2048xf32, #tpu.memory_space<vmem>>, vector<16xf32>,
        tpu.vector_store %arg7[%swap3A_474], %add3A_473 {strides = array<i32>} : memref<2048xf32, #tpu.memory_space<vmem>>, vector<16xf32>,
        %get3A_476 = arith.constant 816 : index
        %get3A_477 = tpu.vector_load %arg7[%get3A_476] {strides = array<i32>} : memref<2048xf32, #tpu.memory_space<vmem>>, vector<16xf32>,
        %get3A_478 = arith.constant 816 : index
        %get3A_479 = tpu.vector_load %arg8[%get3A_478] {strides = array<i32>} : memref<2048xf32, #tpu.memory_space<vmem>>, vector<16xf32>,
        %add3A_480 = arith.addf %get3A_477, %get3A_479 : vector<16xf32>
        %swap3A_481 = arith.constant 816 : index
        %swap3A_482 = tpu.vector_load %arg7[%swap3A_481] {strides = array<i32>} : memref<2048xf32, #tpu.memory_space<vmem>>, vector<16xf32>,
        tpu.vector_store %arg7[%swap3A_481], %add3A_480 {strides = array<i32>} : memref<2048xf32, #tpu.memory_space<vmem>>, vector<16xf32>,
        %get3A_483 = arith.constant 832 : index
        %get3A_484 = tpu.vector_load %arg7[%get3A_483] {strides = array<i32>} : memref<2048xf32, #tpu.memory_space<vmem>>, vector<16xf32>,
        %get3A_485 = arith.constant 832 : index
        %get3A_486 = tpu.vector_load %arg8[%get3A_485] {strides = array<i32>} : memref<2048xf32, #tpu.memory_space<vmem>>, vector<16xf32>,
        %add3A_487 = arith.addf %get3A_484, %get3A_486 : vector<16xf32>
        %swap3A_488 = arith.constant 832 : index
        %swap3A_489 = tpu.vector_load %arg7[%swap3A_488] {strides = array<i32>} : memref<2048xf32, #tpu.memory_space<vmem>>, vector<16xf32>,
        tpu.vector_store %arg7[%swap3A_488], %add3A_487 {strides = array<i32>} : memref<2048xf32, #tpu.memory_space<vmem>>, vector<16xf32>,
        %get3A_490 = arith.constant 848 : index
        %get3A_491 = tpu.vector_load %arg7[%get3A_490] {strides = array<i32>} : memref<2048xf32, #tpu.memory_space<vmem>>, vector<16xf32>,
        %get3A_492 = arith.constant 848 : index
        %get3A_493 = tpu.vector_load %arg8[%get3A_492] {strides = array<i32>} : memref<2048xf32, #tpu.memory_space<vmem>>, vector<16xf32>,
        %add3A_494 = arith.addf %get3A_491, %get3A_493 : vector<16xf32>
        %swap3A_495 = arith.constant 848 : index
        %swap3A_496 = tpu.vector_load %arg7[%swap3A_495] {strides = array<i32>} : memref<2048xf32, #tpu.memory_space<vmem>>, vector<16xf32>,
        tpu.vector_store %arg7[%swap3A_495], %add3A_494 {strides = array<i32>} : memref<2048xf32, #tpu.memory_space<vmem>>, vector<16xf32>,
        %get3A_497 = arith.constant 864 : index
        %get3A_498 = tpu.vector_load %arg7[%get3A_497] {strides = array<i32>} : memref<2048xf32, #tpu.memory_space<vmem>>, vector<16xf32>,
        %get3A_499 = arith.constant 864 : index
        %get3A_500 = tpu.vector_load %arg8[%get3A_499] {strides = array<i32>} : memref<2048xf32, #tpu.memory_space<vmem>>, vector<16xf32>,
        %add3A_501 = arith.addf %get3A_498, %get3A_500 : vector<16xf32>
        %swap3A_502 = arith.constant 864 : index
        %swap3A_503 = tpu.vector_load %arg7[%swap3A_502] {strides = array<i32>} : memref<2048xf32, #tpu.memory_space<vmem>>, vector<16xf32>,
        tpu.vector_store %arg7[%swap3A_502], %add3A_501 {strides = array<i32>} : memref<2048xf32, #tpu.memory_space<vmem>>, vector<16xf32>,
        %get3A_504 = arith.constant 880 : index
        %get3A_505 = tpu.vector_load %arg7[%get3A_504] {strides = array<i32>} : memref<2048xf32, #tpu.memory_space<vmem>>, vector<16xf32>,
        %get3A_506 = arith.constant 880 : index
        %get3A_507 = tpu.vector_load %arg8[%get3A_506] {strides = array<i32>} : memref<2048xf32, #tpu.memory_space<vmem>>, vector<16xf32>,
        %add3A_508 = arith.addf %get3A_505, %get3A_507 : vector<16xf32>
        %swap3A_509 = arith.constant 880 : index
        %swap3A_510 = tpu.vector_load %arg7[%swap3A_509] {strides = array<i32>} : memref<2048xf32, #tpu.memory_space<vmem>>, vector<16xf32>,
        tpu.vector_store %arg7[%swap3A_509], %add3A_508 {strides = array<i32>} : memref<2048xf32, #tpu.memory_space<vmem>>, vector<16xf32>,
        %get3A_511 = arith.constant 896 : index
        %get3A_512 = tpu.vector_load %arg7[%get3A_511] {strides = array<i32>} : memref<2048xf32, #tpu.memory_space<vmem>>, vector<16xf32>,
        %get3A_513 = arith.constant 896 : index
        %get3A_514 = tpu.vector_load %arg8[%get3A_513] {strides = array<i32>} : memref<2048xf32, #tpu.memory_space<vmem>>, vector<16xf32>,
        %add3A_515 = arith.addf %get3A_512, %get3A_514 : vector<16xf32>
        %swap3A_516 = arith.constant 896 : index
        %swap3A_517 = tpu.vector_load %arg7[%swap3A_516] {strides = array<i32>} : memref<2048xf32, #tpu.memory_space<vmem>>, vector<16xf32>,
        tpu.vector_store %arg7[%swap3A_516], %add3A_515 {strides = array<i32>} : memref<2048xf32, #tpu.memory_space<vmem>>, vector<16xf32>,
        %get3A_518 = arith.constant 912 : index
        %get3A_519 = tpu.vector_load %arg7[%get3A_518] {strides = array<i32>} : memref<2048xf32, #tpu.memory_space<vmem>>, vector<16xf32>,
        %get3A_520 = arith.constant 912 : index
        %get3A_521 = tpu.vector_load %arg8[%get3A_520] {strides = array<i32>} : memref<2048xf32, #tpu.memory_space<vmem>>, vector<16xf32>,
        %add3A_522 = arith.addf %get3A_519, %get3A_521 : vector<16xf32>
        %swap3A_523 = arith.constant 912 : index
        %swap3A_524 = tpu.vector_load %arg7[%swap3A_523] {strides = array<i32>} : memref<2048xf32, #tpu.memory_space<vmem>>, vector<16xf32>,
        tpu.vector_store %arg7[%swap3A_523], %add3A_522 {strides = array<i32>} : memref<2048xf32, #tpu.memory_space<vmem>>, vector<16xf32>,
        %get3A_525 = arith.constant 928 : index
        %get3A_526 = tpu.vector_load %arg7[%get3A_525] {strides = array<i32>} : memref<2048xf32, #tpu.memory_space<vmem>>, vector<16xf32>,
        %get3A_527 = arith.constant 928 : index
        %get3A_528 = tpu.vector_load %arg8[%get3A_527] {strides = array<i32>} : memref<2048xf32, #tpu.memory_space<vmem>>, vector<16xf32>,
        %add3A_529 = arith.addf %get3A_526, %get3A_528 : vector<16xf32>
        %swap3A_530 = arith.constant 928 : index
        %swap3A_531 = tpu.vector_load %arg7[%swap3A_530] {strides = array<i32>} : memref<2048xf32, #tpu.memory_space<vmem>>, vector<16xf32>,
        tpu.vector_store %arg7[%swap3A_530], %add3A_529 {strides = array<i32>} : memref<2048xf32, #tpu.memory_space<vmem>>, vector<16xf32>,
        %get3A_532 = arith.constant 944 : index
        %get3A_533 = tpu.vector_load %arg7[%get3A_532] {strides = array<i32>} : memref<2048xf32, #tpu.memory_space<vmem>>, vector<16xf32>,
        %get3A_534 = arith.constant 944 : index
        %get3A_535 = tpu.vector_load %arg8[%get3A_534] {strides = array<i32>} : memref<2048xf32, #tpu.memory_space<vmem>>, vector<16xf32>,
        %add3A_536 = arith.addf %get3A_533, %get3A_535 : vector<16xf32>
        %swap3A_537 = arith.constant 944 : index
        %swap3A_538 = tpu.vector_load %arg7[%swap3A_537] {strides = array<i32>} : memref<2048xf32, #tpu.memory_space<vmem>>, vector<16xf32>,
        tpu.vector_store %arg7[%swap3A_537], %add3A_536 {strides = array<i32>} : memref<2048xf32, #tpu.memory_space<vmem>>, vector<16xf32>,
        %get3A_539 = arith.constant 960 : index
        %get3A_540 = tpu.vector_load %arg7[%get3A_539] {strides = array<i32>} : memref<2048xf32, #tpu.memory_space<vmem>>, vector<16xf32>,
        %get3A_541 = arith.constant 960 : index
        %get3A_542 = tpu.vector_load %arg8[%get3A_541] {strides = array<i32>} : memref<2048xf32, #tpu.memory_space<vmem>>, vector<16xf32>,
        %add3A_543 = arith.addf %get3A_540, %get3A_542 : vector<16xf32>
        %swap3A_544 = arith.constant 960 : index
        %swap3A_545 = tpu.vector_load %arg7[%swap3A_544] {strides = array<i32>} : memref<2048xf32, #tpu.memory_space<vmem>>, vector<16xf32>,
        tpu.vector_store %arg7[%swap3A_544], %add3A_543 {strides = array<i32>} : memref<2048xf32, #tpu.memory_space<vmem>>, vector<16xf32>,
        %get3A_546 = arith.constant 976 : index
        %get3A_547 = tpu.vector_load %arg7[%get3A_546] {strides = array<i32>} : memref<2048xf32, #tpu.memory_space<vmem>>, vector<16xf32>,
        %get3A_548 = arith.constant 976 : index
        %get3A_549 = tpu.vector_load %arg8[%get3A_548] {strides = array<i32>} : memref<2048xf32, #tpu.memory_space<vmem>>, vector<16xf32>,
        %add3A_550 = arith.addf %get3A_547, %get3A_549 : vector<16xf32>
        %swap3A_551 = arith.constant 976 : index
        %swap3A_552 = tpu.vector_load %arg7[%swap3A_551] {strides = array<i32>} : memref<2048xf32, #tpu.memory_space<vmem>>, vector<16xf32>,
        tpu.vector_store %arg7[%swap3A_551], %add3A_550 {strides = array<i32>} : memref<2048xf32, #tpu.memory_space<vmem>>, vector<16xf32>,
        %get3A_553 = arith.constant 992 : index
        %get3A_554 = tpu.vector_load %arg7[%get3A_553] {strides = array<i32>} : memref<2048xf32, #tpu.memory_space<vmem>>, vector<16xf32>,
        %get3A_555 = arith.constant 992 : index
        %get3A_556 = tpu.vector_load %arg8[%get3A_555] {strides = array<i32>} : memref<2048xf32, #tpu.memory_space<vmem>>, vector<16xf32>,
        %add3A_557 = arith.addf %get3A_554, %get3A_556 : vector<16xf32>
        %swap3A_558 = arith.constant 992 : index
        %swap3A_559 = tpu.vector_load %arg7[%swap3A_558] {strides = array<i32>} : memref<2048xf32, #tpu.memory_space<vmem>>, vector<16xf32>,
        tpu.vector_store %arg7[%swap3A_558], %add3A_557 {strides = array<i32>} : memref<2048xf32, #tpu.memory_space<vmem>>, vector<16xf32>,
        %get3A_560 = arith.constant 1008 : index
        %get3A_561 = tpu.vector_load %arg7[%get3A_560] {strides = array<i32>} : memref<2048xf32, #tpu.memory_space<vmem>>, vector<16xf32>,
        %get3A_562 = arith.constant 1008 : index
        %get3A_563 = tpu.vector_load %arg8[%get3A_562] {strides = array<i32>} : memref<2048xf32, #tpu.memory_space<vmem>>, vector<16xf32>,
        %add3A_564 = arith.addf %get3A_561, %get3A_563 : vector<16xf32>
        %swap3A_565 = arith.constant 1008 : index
        %swap3A_566 = tpu.vector_load %arg7[%swap3A_565] {strides = array<i32>} : memref<2048xf32, #tpu.memory_space<vmem>>, vector<16xf32>,
        tpu.vector_store %arg7[%swap3A_565], %add3A_564 {strides = array<i32>} : memref<2048xf32, #tpu.memory_space<vmem>>, vector<16xf32>,
        %get3A_567 = arith.constant 1024 : index
        %get3A_568 = tpu.vector_load %arg7[%get3A_567] {strides = array<i32>} : memref<2048xf32, #tpu.memory_space<vmem>>, vector<16xf32>,
        %get3A_569 = arith.constant 1024 : index
        %get3A_570 = tpu.vector_load %arg8[%get3A_569] {strides = array<i32>} : memref<2048xf32, #tpu.memory_space<vmem>>, vector<16xf32>,
        %add3A_571 = arith.addf %get3A_568, %get3A_570 : vector<16xf32>
        %swap3A_572 = arith.constant 1024 : index
        %swap3A_573 = tpu.vector_load %arg7[%swap3A_572] {strides = array<i32>} : memref<2048xf32, #tpu.memory_space<vmem>>, vector<16xf32>,
        tpu.vector_store %arg7[%swap3A_572], %add3A_571 {strides = array<i32>} : memref<2048xf32, #tpu.memory_space<vmem>>, vector<16xf32>,
        %get3A_574 = arith.constant 1040 : index
        %get3A_575 = tpu.vector_load %arg7[%get3A_574] {strides = array<i32>} : memref<2048xf32, #tpu.memory_space<vmem>>, vector<16xf32>,
        %get3A_576 = arith.constant 1040 : index
        %get3A_577 = tpu.vector_load %arg8[%get3A_576] {strides = array<i32>} : memref<2048xf32, #tpu.memory_space<vmem>>, vector<16xf32>,
        %add3A_578 = arith.addf %get3A_575, %get3A_577 : vector<16xf32>
        %swap3A_579 = arith.constant 1040 : index
        %swap3A_580 = tpu.vector_load %arg7[%swap3A_579] {strides = array<i32>} : memref<2048xf32, #tpu.memory_space<vmem>>, vector<16xf32>,
        tpu.vector_store %arg7[%swap3A_579], %add3A_578 {strides = array<i32>} : memref<2048xf32, #tpu.memory_space<vmem>>, vector<16xf32>,
        %get3A_581 = arith.constant 1056 : index
        %get3A_582 = tpu.vector_load %arg7[%get3A_581] {strides = array<i32>} : memref<2048xf32, #tpu.memory_space<vmem>>, vector<16xf32>,
        %get3A_583 = arith.constant 1056 : index
        %get3A_584 = tpu.vector_load %arg8[%get3A_583] {strides = array<i32>} : memref<2048xf32, #tpu.memory_space<vmem>>, vector<16xf32>,
        %add3A_585 = arith.addf %get3A_582, %get3A_584 : vector<16xf32>
        %swap3A_586 = arith.constant 1056 : index
        %swap3A_587 = tpu.vector_load %arg7[%swap3A_586] {strides = array<i32>} : memref<2048xf32, #tpu.memory_space<vmem>>, vector<16xf32>,
        tpu.vector_store %arg7[%swap3A_586], %add3A_585 {strides = array<i32>} : memref<2048xf32, #tpu.memory_space<vmem>>, vector<16xf32>,
        %get3A_588 = arith.constant 1072 : index
        %get3A_589 = tpu.vector_load %arg7[%get3A_588] {strides = array<i32>} : memref<2048xf32, #tpu.memory_space<vmem>>, vector<16xf32>,
        %get3A_590 = arith.constant 1072 : index
        %get3A_591 = tpu.vector_load %arg8[%get3A_590] {strides = array<i32>} : memref<2048xf32, #tpu.memory_space<vmem>>, vector<16xf32>,
        %add3A_592 = arith.addf %get3A_589, %get3A_591 : vector<16xf32>
        %swap3A_593 = arith.constant 1072 : index
        %swap3A_594 = tpu.vector_load %arg7[%swap3A_593] {strides = array<i32>} : memref<2048xf32, #tpu.memory_space<vmem>>, vector<16xf32>,
        tpu.vector_store %arg7[%swap3A_593], %add3A_592 {strides = array<i32>} : memref<2048xf32, #tpu.memory_space<vmem>>, vector<16xf32>,
        %get3A_595 = arith.constant 1088 : index
        %get3A_596 = tpu.vector_load %arg7[%get3A_595] {strides = array<i32>} : memref<2048xf32, #tpu.memory_space<vmem>>, vector<16xf32>,
        %get3A_597 = arith.constant 1088 : index
        %get3A_598 = tpu.vector_load %arg8[%get3A_597] {strides = array<i32>} : memref<2048xf32, #tpu.memory_space<vmem>>, vector<16xf32>,
        %add3A_599 = arith.addf %get3A_596, %get3A_598 : vector<16xf32>
        %swap3A_600 = arith.constant 1088 : index
        %swap3A_601 = tpu.vector_load %arg7[%swap3A_600] {strides = array<i32>} : memref<2048xf32, #tpu.memory_space<vmem>>, vector<16xf32>,
        tpu.vector_store %arg7[%swap3A_600], %add3A_599 {strides = array<i32>} : memref<2048xf32, #tpu.memory_space<vmem>>, vector<16xf32>,
        %get3A_602 = arith.constant 1104 : index
        %get3A_603 = tpu.vector_load %arg7[%get3A_602] {strides = array<i32>} : memref<2048xf32, #tpu.memory_space<vmem>>, vector<16xf32>,
        %get3A_604 = arith.constant 1104 : index
        %get3A_605 = tpu.vector_load %arg8[%get3A_604] {strides = array<i32>} : memref<2048xf32, #tpu.memory_space<vmem>>, vector<16xf32>,
        %add3A_606 = arith.addf %get3A_603, %get3A_605 : vector<16xf32>
        %swap3A_607 = arith.constant 1104 : index
        %swap3A_608 = tpu.vector_load %arg7[%swap3A_607] {strides = array<i32>} : memref<2048xf32, #tpu.memory_space<vmem>>, vector<16xf32>,
        tpu.vector_store %arg7[%swap3A_607], %add3A_606 {strides = array<i32>} : memref<2048xf32, #tpu.memory_space<vmem>>, vector<16xf32>,
        %get3A_609 = arith.constant 1120 : index
        %get3A_610 = tpu.vector_load %arg7[%get3A_609] {strides = array<i32>} : memref<2048xf32, #tpu.memory_space<vmem>>, vector<16xf32>,
        %get3A_611 = arith.constant 1120 : index
        %get3A_612 = tpu.vector_load %arg8[%get3A_611] {strides = array<i32>} : memref<2048xf32, #tpu.memory_space<vmem>>, vector<16xf32>,
        %add3A_613 = arith.addf %get3A_610, %get3A_612 : vector<16xf32>
        %swap3A_614 = arith.constant 1120 : index
        %swap3A_615 = tpu.vector_load %arg7[%swap3A_614] {strides = array<i32>} : memref<2048xf32, #tpu.memory_space<vmem>>, vector<16xf32>,
        tpu.vector_store %arg7[%swap3A_614], %add3A_613 {strides = array<i32>} : memref<2048xf32, #tpu.memory_space<vmem>>, vector<16xf32>,
        %get3A_616 = arith.constant 1136 : index
        %get3A_617 = tpu.vector_load %arg7[%get3A_616] {strides = array<i32>} : memref<2048xf32, #tpu.memory_space<vmem>>, vector<16xf32>,
        %get3A_618 = arith.constant 1136 : index
        %get3A_619 = tpu.vector_load %arg8[%get3A_618] {strides = array<i32>} : memref<2048xf32, #tpu.memory_space<vmem>>, vector<16xf32>,
        %add3A_620 = arith.addf %get3A_617, %get3A_619 : vector<16xf32>
        %swap3A_621 = arith.constant 1136 : index
        %swap3A_622 = tpu.vector_load %arg7[%swap3A_621] {strides = array<i32>} : memref<2048xf32, #tpu.memory_space<vmem>>, vector<16xf32>,
        tpu.vector_store %arg7[%swap3A_621], %add3A_620 {strides = array<i32>} : memref<2048xf32, #tpu.memory_space<vmem>>, vector<16xf32>,
        %get3A_623 = arith.constant 1152 : index
        %get3A_624 = tpu.vector_load %arg7[%get3A_623] {strides = array<i32>} : memref<2048xf32, #tpu.memory_space<vmem>>, vector<16xf32>,
        %get3A_625 = arith.constant 1152 : index
        %get3A_626 = tpu.vector_load %arg8[%get3A_625] {strides = array<i32>} : memref<2048xf32, #tpu.memory_space<vmem>>, vector<16xf32>,
        %add3A_627 = arith.addf %get3A_624, %get3A_626 : vector<16xf32>
        %swap3A_628 = arith.constant 1152 : index
        %swap3A_629 = tpu.vector_load %arg7[%swap3A_628] {strides = array<i32>} : memref<2048xf32, #tpu.memory_space<vmem>>, vector<16xf32>,
        tpu.vector_store %arg7[%swap3A_628], %add3A_627 {strides = array<i32>} : memref<2048xf32, #tpu.memory_space<vmem>>, vector<16xf32>,
        %get3A_630 = arith.constant 1168 : index
        %get3A_631 = tpu.vector_load %arg7[%get3A_630] {strides = array<i32>} : memref<2048xf32, #tpu.memory_space<vmem>>, vector<16xf32>,
        %get3A_632 = arith.constant 1168 : index
        %get3A_633 = tpu.vector_load %arg8[%get3A_632] {strides = array<i32>} : memref<2048xf32, #tpu.memory_space<vmem>>, vector<16xf32>,
        %add3A_634 = arith.addf %get3A_631, %get3A_633 : vector<16xf32>
        %swap3A_635 = arith.constant 1168 : index
        %swap3A_636 = tpu.vector_load %arg7[%swap3A_635] {strides = array<i32>} : memref<2048xf32, #tpu.memory_space<vmem>>, vector<16xf32>,
        tpu.vector_store %arg7[%swap3A_635], %add3A_634 {strides = array<i32>} : memref<2048xf32, #tpu.memory_space<vmem>>, vector<16xf32>,
        %get3A_637 = arith.constant 1184 : index
        %get3A_638 = tpu.vector_load %arg7[%get3A_637] {strides = array<i32>} : memref<2048xf32, #tpu.memory_space<vmem>>, vector<16xf32>,
        %get3A_639 = arith.constant 1184 : index
        %get3A_640 = tpu.vector_load %arg8[%get3A_639] {strides = array<i32>} : memref<2048xf32, #tpu.memory_space<vmem>>, vector<16xf32>,
        %add3A_641 = arith.addf %get3A_638, %get3A_640 : vector<16xf32>
        %swap3A_642 = arith.constant 1184 : index
        %swap3A_643 = tpu.vector_load %arg7[%swap3A_642] {strides = array<i32>} : memref<2048xf32, #tpu.memory_space<vmem>>, vector<16xf32>,
        tpu.vector_store %arg7[%swap3A_642], %add3A_641 {strides = array<i32>} : memref<2048xf32, #tpu.memory_space<vmem>>, vector<16xf32>,
        %get3A_644 = arith.constant 1200 : index
        %get3A_645 = tpu.vector_load %arg7[%get3A_644] {strides = array<i32>} : memref<2048xf32, #tpu.memory_space<vmem>>, vector<16xf32>,
        %get3A_646 = arith.constant 1200 : index
        %get3A_647 = tpu.vector_load %arg8[%get3A_646] {strides = array<i32>} : memref<2048xf32, #tpu.memory_space<vmem>>, vector<16xf32>,
        %add3A_648 = arith.addf %get3A_645, %get3A_647 : vector<16xf32>
        %swap3A_649 = arith.constant 1200 : index
        %swap3A_650 = tpu.vector_load %arg7[%swap3A_649] {strides = array<i32>} : memref<2048xf32, #tpu.memory_space<vmem>>, vector<16xf32>,
        tpu.vector_store %arg7[%swap3A_649], %add3A_648 {strides = array<i32>} : memref<2048xf32, #tpu.memory_space<vmem>>, vector<16xf32>,
        %get3A_651 = arith.constant 1216 : index
        %get3A_652 = tpu.vector_load %arg7[%get3A_651] {strides = array<i32>} : memref<2048xf32, #tpu.memory_space<vmem>>, vector<16xf32>,
        %get3A_653 = arith.constant 1216 : index
        %get3A_654 = tpu.vector_load %arg8[%get3A_653] {strides = array<i32>} : memref<2048xf32, #tpu.memory_space<vmem>>, vector<16xf32>,
        %add3A_655 = arith.addf %get3A_652, %get3A_654 : vector<16xf32>
        %swap3A_656 = arith.constant 1216 : index
        %swap3A_657 = tpu.vector_load %arg7[%swap3A_656] {strides = array<i32>} : memref<2048xf32, #tpu.memory_space<vmem>>, vector<16xf32>,
        tpu.vector_store %arg7[%swap3A_656], %add3A_655 {strides = array<i32>} : memref<2048xf32, #tpu.memory_space<vmem>>, vector<16xf32>,
        %get3A_658 = arith.constant 1232 : index
        %get3A_659 = tpu.vector_load %arg7[%get3A_658] {strides = array<i32>} : memref<2048xf32, #tpu.memory_space<vmem>>, vector<16xf32>,
        %get3A_660 = arith.constant 1232 : index
        %get3A_661 = tpu.vector_load %arg8[%get3A_660] {strides = array<i32>} : memref<2048xf32, #tpu.memory_space<vmem>>, vector<16xf32>,
        %add3A_662 = arith.addf %get3A_659, %get3A_661 : vector<16xf32>
        %swap3A_663 = arith.constant 1232 : index
        %swap3A_664 = tpu.vector_load %arg7[%swap3A_663] {strides = array<i32>} : memref<2048xf32, #tpu.memory_space<vmem>>, vector<16xf32>,
        tpu.vector_store %arg7[%swap3A_663], %add3A_662 {strides = array<i32>} : memref<2048xf32, #tpu.memory_space<vmem>>, vector<16xf32>,
        %get3A_665 = arith.constant 1248 : index
        %get3A_666 = tpu.vector_load %arg7[%get3A_665] {strides = array<i32>} : memref<2048xf32, #tpu.memory_space<vmem>>, vector<16xf32>,
        %get3A_667 = arith.constant 1248 : index
        %get3A_668 = tpu.vector_load %arg8[%get3A_667] {strides = array<i32>} : memref<2048xf32, #tpu.memory_space<vmem>>, vector<16xf32>,
        %add3A_669 = arith.addf %get3A_666, %get3A_668 : vector<16xf32>
        %swap3A_670 = arith.constant 1248 : index
        %swap3A_671 = tpu.vector_load %arg7[%swap3A_670] {strides = array<i32>} : memref<2048xf32, #tpu.memory_space<vmem>>, vector<16xf32>,
        tpu.vector_store %arg7[%swap3A_670], %add3A_669 {strides = array<i32>} : memref<2048xf32, #tpu.memory_space<vmem>>, vector<16xf32>,
        %get3A_672 = arith.constant 1264 : index
        %get3A_673 = tpu.vector_load %arg7[%get3A_672] {strides = array<i32>} : memref<2048xf32, #tpu.memory_space<vmem>>, vector<16xf32>,
        %get3A_674 = arith.constant 1264 : index
        %get3A_675 = tpu.vector_load %arg8[%get3A_674] {strides = array<i32>} : memref<2048xf32, #tpu.memory_space<vmem>>, vector<16xf32>,
        %add3A_676 = arith.addf %get3A_673, %get3A_675 : vector<16xf32>
        %swap3A_677 = arith.constant 1264 : index
        %swap3A_678 = tpu.vector_load %arg7[%swap3A_677] {strides = array<i32>} : memref<2048xf32, #tpu.memory_space<vmem>>, vector<16xf32>,
        tpu.vector_store %arg7[%swap3A_677], %add3A_676 {strides = array<i32>} : memref<2048xf32, #tpu.memory_space<vmem>>, vector<16xf32>,
        %get3A_679 = arith.constant 1280 : index
        %get3A_680 = tpu.vector_load %arg7[%get3A_679] {strides = array<i32>} : memref<2048xf32, #tpu.memory_space<vmem>>, vector<16xf32>,
        %get3A_681 = arith.constant 1280 : index
        %get3A_682 = tpu.vector_load %arg8[%get3A_681] {strides = array<i32>} : memref<2048xf32, #tpu.memory_space<vmem>>, vector<16xf32>,
        %add3A_683 = arith.addf %get3A_680, %get3A_682 : vector<16xf32>
        %swap3A_684 = arith.constant 1280 : index
        %swap3A_685 = tpu.vector_load %arg7[%swap3A_684] {strides = array<i32>} : memref<2048xf32, #tpu.memory_space<vmem>>, vector<16xf32>,
        tpu.vector_store %arg7[%swap3A_684], %add3A_683 {strides = array<i32>} : memref<2048xf32, #tpu.memory_space<vmem>>, vector<16xf32>,
        %get3A_686 = arith.constant 1296 : index
        %get3A_687 = tpu.vector_load %arg7[%get3A_686] {strides = array<i32>} : memref<2048xf32, #tpu.memory_space<vmem>>, vector<16xf32>,
        %get3A_688 = arith.constant 1296 : index
        %get3A_689 = tpu.vector_load %arg8[%get3A_688] {strides = array<i32>} : memref<2048xf32, #tpu.memory_space<vmem>>, vector<16xf32>,
        %add3A_690 = arith.addf %get3A_687, %get3A_689 : vector<16xf32>
        %swap3A_691 = arith.constant 1296 : index
        %swap3A_692 = tpu.vector_load %arg7[%swap3A_691] {strides = array<i32>} : memref<2048xf32, #tpu.memory_space<vmem>>, vector<16xf32>,
        tpu.vector_store %arg7[%swap3A_691], %add3A_690 {strides = array<i32>} : memref<2048xf32, #tpu.memory_space<vmem>>, vector<16xf32>,
        %get3A_693 = arith.constant 1312 : index
        %get3A_694 = tpu.vector_load %arg7[%get3A_693] {strides = array<i32>} : memref<2048xf32, #tpu.memory_space<vmem>>, vector<16xf32>,
        %get3A_695 = arith.constant 1312 : index
        %get3A_696 = tpu.vector_load %arg8[%get3A_695] {strides = array<i32>} : memref<2048xf32, #tpu.memory_space<vmem>>, vector<16xf32>,
        %add3A_697 = arith.addf %get3A_694, %get3A_696 : vector<16xf32>
        %swap3A_698 = arith.constant 1312 : index
        %swap3A_699 = tpu.vector_load %arg7[%swap3A_698] {strides = array<i32>} : memref<2048xf32, #tpu.memory_space<vmem>>, vector<16xf32>,
        tpu.vector_store %arg7[%swap3A_698], %add3A_697 {strides = array<i32>} : memref<2048xf32, #tpu.memory_space<vmem>>, vector<16xf32>,
        %get3A_700 = arith.constant 1328 : index
        %get3A_701 = tpu.vector_load %arg7[%get3A_700] {strides = array<i32>} : memref<2048xf32, #tpu.memory_space<vmem>>, vector<16xf32>,
        %get3A_702 = arith.constant 1328 : index
        %get3A_703 = tpu.vector_load %arg8[%get3A_702] {strides = array<i32>} : memref<2048xf32, #tpu.memory_space<vmem>>, vector<16xf32>,
        %add3A_704 = arith.addf %get3A_701, %get3A_703 : vector<16xf32>
        %swap3A_705 = arith.constant 1328 : index
        %swap3A_706 = tpu.vector_load %arg7[%swap3A_705] {strides = array<i32>} : memref<2048xf32, #tpu.memory_space<vmem>>, vector<16xf32>,
        tpu.vector_store %arg7[%swap3A_705], %add3A_704 {strides = array<i32>} : memref<2048xf32, #tpu.memory_space<vmem>>, vector<16xf32>,
        %get3A_707 = arith.constant 1344 : index
        %get3A_708 = tpu.vector_load %arg7[%get3A_707] {strides = array<i32>} : memref<2048xf32, #tpu.memory_space<vmem>>, vector<16xf32>,
        %get3A_709 = arith.constant 1344 : index
        %get3A_710 = tpu.vector_load %arg8[%get3A_709] {strides = array<i32>} : memref<2048xf32, #tpu.memory_space<vmem>>, vector<16xf32>,
        %add3A_711 = arith.addf %get3A_708, %get3A_710 : vector<16xf32>
        %swap3A_712 = arith.constant 1344 : index
        %swap3A_713 = tpu.vector_load %arg7[%swap3A_712] {strides = array<i32>} : memref<2048xf32, #tpu.memory_space<vmem>>, vector<16xf32>,
        tpu.vector_store %arg7[%swap3A_712], %add3A_711 {strides = array<i32>} : memref<2048xf32, #tpu.memory_space<vmem>>, vector<16xf32>,
        %get3A_714 = arith.constant 1360 : index
        %get3A_715 = tpu.vector_load %arg7[%get3A_714] {strides = array<i32>} : memref<2048xf32, #tpu.memory_space<vmem>>, vector<16xf32>,
        %get3A_716 = arith.constant 1360 : index
        %get3A_717 = tpu.vector_load %arg8[%get3A_716] {strides = array<i32>} : memref<2048xf32, #tpu.memory_space<vmem>>, vector<16xf32>,
        %add3A_718 = arith.addf %get3A_715, %get3A_717 : vector<16xf32>
        %swap3A_719 = arith.constant 1360 : index
        %swap3A_720 = tpu.vector_load %arg7[%swap3A_719] {strides = array<i32>} : memref<2048xf32, #tpu.memory_space<vmem>>, vector<16xf32>,
        tpu.vector_store %arg7[%swap3A_719], %add3A_718 {strides = array<i32>} : memref<2048xf32, #tpu.memory_space<vmem>>, vector<16xf32>,
        %get3A_721 = arith.constant 1376 : index
        %get3A_722 = tpu.vector_load %arg7[%get3A_721] {strides = array<i32>} : memref<2048xf32, #tpu.memory_space<vmem>>, vector<16xf32>,
        %get3A_723 = arith.constant 1376 : index
        %get3A_724 = tpu.vector_load %arg8[%get3A_723] {strides = array<i32>} : memref<2048xf32, #tpu.memory_space<vmem>>, vector<16xf32>,
        %add3A_725 = arith.addf %get3A_722, %get3A_724 : vector<16xf32>
        %swap3A_726 = arith.constant 1376 : index
        %swap3A_727 = tpu.vector_load %arg7[%swap3A_726] {strides = array<i32>} : memref<2048xf32, #tpu.memory_space<vmem>>, vector<16xf32>,
        tpu.vector_store %arg7[%swap3A_726], %add3A_725 {strides = array<i32>} : memref<2048xf32, #tpu.memory_space<vmem>>, vector<16xf32>,
        %get3A_728 = arith.constant 1392 : index
        %get3A_729 = tpu.vector_load %arg7[%get3A_728] {strides = array<i32>} : memref<2048xf32, #tpu.memory_space<vmem>>, vector<16xf32>,
        %get3A_730 = arith.constant 1392 : index
        %get3A_731 = tpu.vector_load %arg8[%get3A_730] {strides = array<i32>} : memref<2048xf32, #tpu.memory_space<vmem>>, vector<16xf32>,
        %add3A_732 = arith.addf %get3A_729, %get3A_731 : vector<16xf32>
        %swap3A_733 = arith.constant 1392 : index
        %swap3A_734 = tpu.vector_load %arg7[%swap3A_733] {strides = array<i32>} : memref<2048xf32, #tpu.memory_space<vmem>>, vector<16xf32>,
        tpu.vector_store %arg7[%swap3A_733], %add3A_732 {strides = array<i32>} : memref<2048xf32, #tpu.memory_space<vmem>>, vector<16xf32>,
        %get3A_735 = arith.constant 1408 : index
        %get3A_736 = tpu.vector_load %arg7[%get3A_735] {strides = array<i32>} : memref<2048xf32, #tpu.memory_space<vmem>>, vector<16xf32>,
        %get3A_737 = arith.constant 1408 : index
        %get3A_738 = tpu.vector_load %arg8[%get3A_737] {strides = array<i32>} : memref<2048xf32, #tpu.memory_space<vmem>>, vector<16xf32>,
        %add3A_739 = arith.addf %get3A_736, %get3A_738 : vector<16xf32>
        %swap3A_740 = arith.constant 1408 : index
        %swap3A_741 = tpu.vector_load %arg7[%swap3A_740] {strides = array<i32>} : memref<2048xf32, #tpu.memory_space<vmem>>, vector<16xf32>,
        tpu.vector_store %arg7[%swap3A_740], %add3A_739 {strides = array<i32>} : memref<2048xf32, #tpu.memory_space<vmem>>, vector<16xf32>,
        %get3A_742 = arith.constant 1424 : index
        %get3A_743 = tpu.vector_load %arg7[%get3A_742] {strides = array<i32>} : memref<2048xf32, #tpu.memory_space<vmem>>, vector<16xf32>,
        %get3A_744 = arith.constant 1424 : index
        %get3A_745 = tpu.vector_load %arg8[%get3A_744] {strides = array<i32>} : memref<2048xf32, #tpu.memory_space<vmem>>, vector<16xf32>,
        %add3A_746 = arith.addf %get3A_743, %get3A_745 : vector<16xf32>
        %swap3A_747 = arith.constant 1424 : index
        %swap3A_748 = tpu.vector_load %arg7[%swap3A_747] {strides = array<i32>} : memref<2048xf32, #tpu.memory_space<vmem>>, vector<16xf32>,
        tpu.vector_store %arg7[%swap3A_747], %add3A_746 {strides = array<i32>} : memref<2048xf32, #tpu.memory_space<vmem>>, vector<16xf32>,
        %get3A_749 = arith.constant 1440 : index
        %get3A_750 = tpu.vector_load %arg7[%get3A_749] {strides = array<i32>} : memref<2048xf32, #tpu.memory_space<vmem>>, vector<16xf32>,
        %get3A_751 = arith.constant 1440 : index
        %get3A_752 = tpu.vector_load %arg8[%get3A_751] {strides = array<i32>} : memref<2048xf32, #tpu.memory_space<vmem>>, vector<16xf32>,
        %add3A_753 = arith.addf %get3A_750, %get3A_752 : vector<16xf32>
        %swap3A_754 = arith.constant 1440 : index
        %swap3A_755 = tpu.vector_load %arg7[%swap3A_754] {strides = array<i32>} : memref<2048xf32, #tpu.memory_space<vmem>>, vector<16xf32>,
        tpu.vector_store %arg7[%swap3A_754], %add3A_753 {strides = array<i32>} : memref<2048xf32, #tpu.memory_space<vmem>>, vector<16xf32>,
        %get3A_756 = arith.constant 1456 : index
        %get3A_757 = tpu.vector_load %arg7[%get3A_756] {strides = array<i32>} : memref<2048xf32, #tpu.memory_space<vmem>>, vector<16xf32>,
        %get3A_758 = arith.constant 1456 : index
        %get3A_759 = tpu.vector_load %arg8[%get3A_758] {strides = array<i32>} : memref<2048xf32, #tpu.memory_space<vmem>>, vector<16xf32>,
        %add3A_760 = arith.addf %get3A_757, %get3A_759 : vector<16xf32>
        %swap3A_761 = arith.constant 1456 : index
        %swap3A_762 = tpu.vector_load %arg7[%swap3A_761] {strides = array<i32>} : memref<2048xf32, #tpu.memory_space<vmem>>, vector<16xf32>,
        tpu.vector_store %arg7[%swap3A_761], %add3A_760 {strides = array<i32>} : memref<2048xf32, #tpu.memory_space<vmem>>, vector<16xf32>,
        %get3A_763 = arith.constant 1472 : index
        %get3A_764 = tpu.vector_load %arg7[%get3A_763] {strides = array<i32>} : memref<2048xf32, #tpu.memory_space<vmem>>, vector<16xf32>,
        %get3A_765 = arith.constant 1472 : index
        %get3A_766 = tpu.vector_load %arg8[%get3A_765] {strides = array<i32>} : memref<2048xf32, #tpu.memory_space<vmem>>, vector<16xf32>,
        %add3A_767 = arith.addf %get3A_764, %get3A_766 : vector<16xf32>
        %swap3A_768 = arith.constant 1472 : index
        %swap3A_769 = tpu.vector_load %arg7[%swap3A_768] {strides = array<i32>} : memref<2048xf32, #tpu.memory_space<vmem>>, vector<16xf32>,
        tpu.vector_store %arg7[%swap3A_768], %add3A_767 {strides = array<i32>} : memref<2048xf32, #tpu.memory_space<vmem>>, vector<16xf32>,
        %get3A_770 = arith.constant 1488 : index
        %get3A_771 = tpu.vector_load %arg7[%get3A_770] {strides = array<i32>} : memref<2048xf32, #tpu.memory_space<vmem>>, vector<16xf32>,
        %get3A_772 = arith.constant 1488 : index
        %get3A_773 = tpu.vector_load %arg8[%get3A_772] {strides = array<i32>} : memref<2048xf32, #tpu.memory_space<vmem>>, vector<16xf32>,
        %add3A_774 = arith.addf %get3A_771, %get3A_773 : vector<16xf32>
        %swap3A_775 = arith.constant 1488 : index
        %swap3A_776 = tpu.vector_load %arg7[%swap3A_775] {strides = array<i32>} : memref<2048xf32, #tpu.memory_space<vmem>>, vector<16xf32>,
        tpu.vector_store %arg7[%swap3A_775], %add3A_774 {strides = array<i32>} : memref<2048xf32, #tpu.memory_space<vmem>>, vector<16xf32>,
        %get3A_777 = arith.constant 1504 : index
        %get3A_778 = tpu.vector_load %arg7[%get3A_777] {strides = array<i32>} : memref<2048xf32, #tpu.memory_space<vmem>>, vector<16xf32>,
        %get3A_779 = arith.constant 1504 : index
        %get3A_780 = tpu.vector_load %arg8[%get3A_779] {strides = array<i32>} : memref<2048xf32, #tpu.memory_space<vmem>>, vector<16xf32>,
        %add3A_781 = arith.addf %get3A_778, %get3A_780 : vector<16xf32>
        %swap3A_782 = arith.constant 1504 : index
        %swap3A_783 = tpu.vector_load %arg7[%swap3A_782] {strides = array<i32>} : memref<2048xf32, #tpu.memory_space<vmem>>, vector<16xf32>,
        tpu.vector_store %arg7[%swap3A_782], %add3A_781 {strides = array<i32>} : memref<2048xf32, #tpu.memory_space<vmem>>, vector<16xf32>,
        %get3A_784 = arith.constant 1520 : index
        %get3A_785 = tpu.vector_load %arg7[%get3A_784] {strides = array<i32>} : memref<2048xf32, #tpu.memory_space<vmem>>, vector<16xf32>,
        %get3A_786 = arith.constant 1520 : index
        %get3A_787 = tpu.vector_load %arg8[%get3A_786] {strides = array<i32>} : memref<2048xf32, #tpu.memory_space<vmem>>, vector<16xf32>,
        %add3A_788 = arith.addf %get3A_785, %get3A_787 : vector<16xf32>
        %swap3A_789 = arith.constant 1520 : index
        %swap3A_790 = tpu.vector_load %arg7[%swap3A_789] {strides = array<i32>} : memref<2048xf32, #tpu.memory_space<vmem>>, vector<16xf32>,
        tpu.vector_store %arg7[%swap3A_789], %add3A_788 {strides = array<i32>} : memref<2048xf32, #tpu.memory_space<vmem>>, vector<16xf32>,
        %get3A_791 = arith.constant 1536 : index
        %get3A_792 = tpu.vector_load %arg7[%get3A_791] {strides = array<i32>} : memref<2048xf32, #tpu.memory_space<vmem>>, vector<16xf32>,
        %get3A_793 = arith.constant 1536 : index
        %get3A_794 = tpu.vector_load %arg8[%get3A_793] {strides = array<i32>} : memref<2048xf32, #tpu.memory_space<vmem>>, vector<16xf32>,
        %add3A_795 = arith.addf %get3A_792, %get3A_794 : vector<16xf32>
        %swap3A_796 = arith.constant 1536 : index
        %swap3A_797 = tpu.vector_load %arg7[%swap3A_796] {strides = array<i32>} : memref<2048xf32, #tpu.memory_space<vmem>>, vector<16xf32>,
        tpu.vector_store %arg7[%swap3A_796], %add3A_795 {strides = array<i32>} : memref<2048xf32, #tpu.memory_space<vmem>>, vector<16xf32>,
        %get3A_798 = arith.constant 1552 : index
        %get3A_799 = tpu.vector_load %arg7[%get3A_798] {strides = array<i32>} : memref<2048xf32, #tpu.memory_space<vmem>>, vector<16xf32>,
        %get3A_800 = arith.constant 1552 : index
        %get3A_801 = tpu.vector_load %arg8[%get3A_800] {strides = array<i32>} : memref<2048xf32, #tpu.memory_space<vmem>>, vector<16xf32>,
        %add3A_802 = arith.addf %get3A_799, %get3A_801 : vector<16xf32>
        %swap3A_803 = arith.constant 1552 : index
        %swap3A_804 = tpu.vector_load %arg7[%swap3A_803] {strides = array<i32>} : memref<2048xf32, #tpu.memory_space<vmem>>, vector<16xf32>,
        tpu.vector_store %arg7[%swap3A_803], %add3A_802 {strides = array<i32>} : memref<2048xf32, #tpu.memory_space<vmem>>, vector<16xf32>,
        %get3A_805 = arith.constant 1568 : index
        %get3A_806 = tpu.vector_load %arg7[%get3A_805] {strides = array<i32>} : memref<2048xf32, #tpu.memory_space<vmem>>, vector<16xf32>,
        %get3A_807 = arith.constant 1568 : index
        %get3A_808 = tpu.vector_load %arg8[%get3A_807] {strides = array<i32>} : memref<2048xf32, #tpu.memory_space<vmem>>, vector<16xf32>,
        %add3A_809 = arith.addf %get3A_806, %get3A_808 : vector<16xf32>
        %swap3A_810 = arith.constant 1568 : index
        %swap3A_811 = tpu.vector_load %arg7[%swap3A_810] {strides = array<i32>} : memref<2048xf32, #tpu.memory_space<vmem>>, vector<16xf32>,
        tpu.vector_store %arg7[%swap3A_810], %add3A_809 {strides = array<i32>} : memref<2048xf32, #tpu.memory_space<vmem>>, vector<16xf32>,
        %get3A_812 = arith.constant 1584 : index
        %get3A_813 = tpu.vector_load %arg7[%get3A_812] {strides = array<i32>} : memref<2048xf32, #tpu.memory_space<vmem>>, vector<16xf32>,
        %get3A_814 = arith.constant 1584 : index
        %get3A_815 = tpu.vector_load %arg8[%get3A_814] {strides = array<i32>} : memref<2048xf32, #tpu.memory_space<vmem>>, vector<16xf32>,
        %add3A_816 = arith.addf %get3A_813, %get3A_815 : vector<16xf32>
        %swap3A_817 = arith.constant 1584 : index
        %swap3A_818 = tpu.vector_load %arg7[%swap3A_817] {strides = array<i32>} : memref<2048xf32, #tpu.memory_space<vmem>>, vector<16xf32>,
        tpu.vector_store %arg7[%swap3A_817], %add3A_816 {strides = array<i32>} : memref<2048xf32, #tpu.memory_space<vmem>>, vector<16xf32>,
        %get3A_819 = arith.constant 1600 : index
        %get3A_820 = tpu.vector_load %arg7[%get3A_819] {strides = array<i32>} : memref<2048xf32, #tpu.memory_space<vmem>>, vector<16xf32>,
        %get3A_821 = arith.constant 1600 : index
        %get3A_822 = tpu.vector_load %arg8[%get3A_821] {strides = array<i32>} : memref<2048xf32, #tpu.memory_space<vmem>>, vector<16xf32>,
        %add3A_823 = arith.addf %get3A_820, %get3A_822 : vector<16xf32>
        %swap3A_824 = arith.constant 1600 : index
        %swap3A_825 = tpu.vector_load %arg7[%swap3A_824] {strides = array<i32>} : memref<2048xf32, #tpu.memory_space<vmem>>, vector<16xf32>,
        tpu.vector_store %arg7[%swap3A_824], %add3A_823 {strides = array<i32>} : memref<2048xf32, #tpu.memory_space<vmem>>, vector<16xf32>,
        %get3A_826 = arith.constant 1616 : index
        %get3A_827 = tpu.vector_load %arg7[%get3A_826] {strides = array<i32>} : memref<2048xf32, #tpu.memory_space<vmem>>, vector<16xf32>,
        %get3A_828 = arith.constant 1616 : index
        %get3A_829 = tpu.vector_load %arg8[%get3A_828] {strides = array<i32>} : memref<2048xf32, #tpu.memory_space<vmem>>, vector<16xf32>,
        %add3A_830 = arith.addf %get3A_827, %get3A_829 : vector<16xf32>
        %swap3A_831 = arith.constant 1616 : index
        %swap3A_832 = tpu.vector_load %arg7[%swap3A_831] {strides = array<i32>} : memref<2048xf32, #tpu.memory_space<vmem>>, vector<16xf32>,
        tpu.vector_store %arg7[%swap3A_831], %add3A_830 {strides = array<i32>} : memref<2048xf32, #tpu.memory_space<vmem>>, vector<16xf32>,
        %get3A_833 = arith.constant 1632 : index
        %get3A_834 = tpu.vector_load %arg7[%get3A_833] {strides = array<i32>} : memref<2048xf32, #tpu.memory_space<vmem>>, vector<16xf32>,
        %get3A_835 = arith.constant 1632 : index
        %get3A_836 = tpu.vector_load %arg8[%get3A_835] {strides = array<i32>} : memref<2048xf32, #tpu.memory_space<vmem>>, vector<16xf32>,
        %add3A_837 = arith.addf %get3A_834, %get3A_836 : vector<16xf32>
        %swap3A_838 = arith.constant 1632 : index
        %swap3A_839 = tpu.vector_load %arg7[%swap3A_838] {strides = array<i32>} : memref<2048xf32, #tpu.memory_space<vmem>>, vector<16xf32>,
        tpu.vector_store %arg7[%swap3A_838], %add3A_837 {strides = array<i32>} : memref<2048xf32, #tpu.memory_space<vmem>>, vector<16xf32>,
        %get3A_840 = arith.constant 1648 : index
        %get3A_841 = tpu.vector_load %arg7[%get3A_840] {strides = array<i32>} : memref<2048xf32, #tpu.memory_space<vmem>>, vector<16xf32>,
        %get3A_842 = arith.constant 1648 : index
        %get3A_843 = tpu.vector_load %arg8[%get3A_842] {strides = array<i32>} : memref<2048xf32, #tpu.memory_space<vmem>>, vector<16xf32>,
        %add3A_844 = arith.addf %get3A_841, %get3A_843 : vector<16xf32>
        %swap3A_845 = arith.constant 1648 : index
        %swap3A_846 = tpu.vector_load %arg7[%swap3A_845] {strides = array<i32>} : memref<2048xf32, #tpu.memory_space<vmem>>, vector<16xf32>,
        tpu.vector_store %arg7[%swap3A_845], %add3A_844 {strides = array<i32>} : memref<2048xf32, #tpu.memory_space<vmem>>, vector<16xf32>,
        %get3A_847 = arith.constant 1664 : index
        %get3A_848 = tpu.vector_load %arg7[%get3A_847] {strides = array<i32>} : memref<2048xf32, #tpu.memory_space<vmem>>, vector<16xf32>,
        %get3A_849 = arith.constant 1664 : index
        %get3A_850 = tpu.vector_load %arg8[%get3A_849] {strides = array<i32>} : memref<2048xf32, #tpu.memory_space<vmem>>, vector<16xf32>,
        %add3A_851 = arith.addf %get3A_848, %get3A_850 : vector<16xf32>
        %swap3A_852 = arith.constant 1664 : index
        %swap3A_853 = tpu.vector_load %arg7[%swap3A_852] {strides = array<i32>} : memref<2048xf32, #tpu.memory_space<vmem>>, vector<16xf32>,
        tpu.vector_store %arg7[%swap3A_852], %add3A_851 {strides = array<i32>} : memref<2048xf32, #tpu.memory_space<vmem>>, vector<16xf32>,
        %get3A_854 = arith.constant 1680 : index
        %get3A_855 = tpu.vector_load %arg7[%get3A_854] {strides = array<i32>} : memref<2048xf32, #tpu.memory_space<vmem>>, vector<16xf32>,
        %get3A_856 = arith.constant 1680 : index
        %get3A_857 = tpu.vector_load %arg8[%get3A_856] {strides = array<i32>} : memref<2048xf32, #tpu.memory_space<vmem>>, vector<16xf32>,
        %add3A_858 = arith.addf %get3A_855, %get3A_857 : vector<16xf32>
        %swap3A_859 = arith.constant 1680 : index
        %swap3A_860 = tpu.vector_load %arg7[%swap3A_859] {strides = array<i32>} : memref<2048xf32, #tpu.memory_space<vmem>>, vector<16xf32>,
        tpu.vector_store %arg7[%swap3A_859], %add3A_858 {strides = array<i32>} : memref<2048xf32, #tpu.memory_space<vmem>>, vector<16xf32>,
        %get3A_861 = arith.constant 1696 : index
        %get3A_862 = tpu.vector_load %arg7[%get3A_861] {strides = array<i32>} : memref<2048xf32, #tpu.memory_space<vmem>>, vector<16xf32>,
        %get3A_863 = arith.constant 1696 : index
        %get3A_864 = tpu.vector_load %arg8[%get3A_863] {strides = array<i32>} : memref<2048xf32, #tpu.memory_space<vmem>>, vector<16xf32>,
        %add3A_865 = arith.addf %get3A_862, %get3A_864 : vector<16xf32>
        %swap3A_866 = arith.constant 1696 : index
        %swap3A_867 = tpu.vector_load %arg7[%swap3A_866] {strides = array<i32>} : memref<2048xf32, #tpu.memory_space<vmem>>, vector<16xf32>,
        tpu.vector_store %arg7[%swap3A_866], %add3A_865 {strides = array<i32>} : memref<2048xf32, #tpu.memory_space<vmem>>, vector<16xf32>,
        %get3A_868 = arith.constant 1712 : index
        %get3A_869 = tpu.vector_load %arg7[%get3A_868] {strides = array<i32>} : memref<2048xf32, #tpu.memory_space<vmem>>, vector<16xf32>,
        %get3A_870 = arith.constant 1712 : index
        %get3A_871 = tpu.vector_load %arg8[%get3A_870] {strides = array<i32>} : memref<2048xf32, #tpu.memory_space<vmem>>, vector<16xf32>,
        %add3A_872 = arith.addf %get3A_869, %get3A_871 : vector<16xf32>
        %swap3A_873 = arith.constant 1712 : index
        %swap3A_874 = tpu.vector_load %arg7[%swap3A_873] {strides = array<i32>} : memref<2048xf32, #tpu.memory_space<vmem>>, vector<16xf32>,
        tpu.vector_store %arg7[%swap3A_873], %add3A_872 {strides = array<i32>} : memref<2048xf32, #tpu.memory_space<vmem>>, vector<16xf32>,
        %get3A_875 = arith.constant 1728 : index
        %get3A_876 = tpu.vector_load %arg7[%get3A_875] {strides = array<i32>} : memref<2048xf32, #tpu.memory_space<vmem>>, vector<16xf32>,
        %get3A_877 = arith.constant 1728 : index
        %get3A_878 = tpu.vector_load %arg8[%get3A_877] {strides = array<i32>} : memref<2048xf32, #tpu.memory_space<vmem>>, vector<16xf32>,
        %add3A_879 = arith.addf %get3A_876, %get3A_878 : vector<16xf32>
        %swap3A_880 = arith.constant 1728 : index
        %swap3A_881 = tpu.vector_load %arg7[%swap3A_880] {strides = array<i32>} : memref<2048xf32, #tpu.memory_space<vmem>>, vector<16xf32>,
        tpu.vector_store %arg7[%swap3A_880], %add3A_879 {strides = array<i32>} : memref<2048xf32, #tpu.memory_space<vmem>>, vector<16xf32>,
        %get3A_882 = arith.constant 1744 : index
        %get3A_883 = tpu.vector_load %arg7[%get3A_882] {strides = array<i32>} : memref<2048xf32, #tpu.memory_space<vmem>>, vector<16xf32>,
        %get3A_884 = arith.constant 1744 : index
        %get3A_885 = tpu.vector_load %arg8[%get3A_884] {strides = array<i32>} : memref<2048xf32, #tpu.memory_space<vmem>>, vector<16xf32>,
        %add3A_886 = arith.addf %get3A_883, %get3A_885 : vector<16xf32>
        %swap3A_887 = arith.constant 1744 : index
        %swap3A_888 = tpu.vector_load %arg7[%swap3A_887] {strides = array<i32>} : memref<2048xf32, #tpu.memory_space<vmem>>, vector<16xf32>,
        tpu.vector_store %arg7[%swap3A_887], %add3A_886 {strides = array<i32>} : memref<2048xf32, #tpu.memory_space<vmem>>, vector<16xf32>,
        %get3A_889 = arith.constant 1760 : index
        %get3A_890 = tpu.vector_load %arg7[%get3A_889] {strides = array<i32>} : memref<2048xf32, #tpu.memory_space<vmem>>, vector<16xf32>,
        %get3A_891 = arith.constant 1760 : index
        %get3A_892 = tpu.vector_load %arg8[%get3A_891] {strides = array<i32>} : memref<2048xf32, #tpu.memory_space<vmem>>, vector<16xf32>,
        %add3A_893 = arith.addf %get3A_890, %get3A_892 : vector<16xf32>
        %swap3A_894 = arith.constant 1760 : index
        %swap3A_895 = tpu.vector_load %arg7[%swap3A_894] {strides = array<i32>} : memref<2048xf32, #tpu.memory_space<vmem>>, vector<16xf32>,
        tpu.vector_store %arg7[%swap3A_894], %add3A_893 {strides = array<i32>} : memref<2048xf32, #tpu.memory_space<vmem>>, vector<16xf32>,
        %get3A_896 = arith.constant 1776 : index
        %get3A_897 = tpu.vector_load %arg7[%get3A_896] {strides = array<i32>} : memref<2048xf32, #tpu.memory_space<vmem>>, vector<16xf32>,
        %get3A_898 = arith.constant 1776 : index
        %get3A_899 = tpu.vector_load %arg8[%get3A_898] {strides = array<i32>} : memref<2048xf32, #tpu.memory_space<vmem>>, vector<16xf32>,
        %add3A_900 = arith.addf %get3A_897, %get3A_899 : vector<16xf32>
        %swap3A_901 = arith.constant 1776 : index
        %swap3A_902 = tpu.vector_load %arg7[%swap3A_901] {strides = array<i32>} : memref<2048xf32, #tpu.memory_space<vmem>>, vector<16xf32>,
        tpu.vector_store %arg7[%swap3A_901], %add3A_900 {strides = array<i32>} : memref<2048xf32, #tpu.memory_space<vmem>>, vector<16xf32>,
        %get3A_903 = arith.constant 1792 : index
        %get3A_904 = tpu.vector_load %arg7[%get3A_903] {strides = array<i32>} : memref<2048xf32, #tpu.memory_space<vmem>>, vector<16xf32>,
        %get3A_905 = arith.constant 1792 : index
        %get3A_906 = tpu.vector_load %arg8[%get3A_905] {strides = array<i32>} : memref<2048xf32, #tpu.memory_space<vmem>>, vector<16xf32>,
        %add3A_907 = arith.addf %get3A_904, %get3A_906 : vector<16xf32>
        %swap3A_908 = arith.constant 1792 : index
        %swap3A_909 = tpu.vector_load %arg7[%swap3A_908] {strides = array<i32>} : memref<2048xf32, #tpu.memory_space<vmem>>, vector<16xf32>,
        tpu.vector_store %arg7[%swap3A_908], %add3A_907 {strides = array<i32>} : memref<2048xf32, #tpu.memory_space<vmem>>, vector<16xf32>,
        %get3A_910 = arith.constant 1808 : index
        %get3A_911 = tpu.vector_load %arg7[%get3A_910] {strides = array<i32>} : memref<2048xf32, #tpu.memory_space<vmem>>, vector<16xf32>,
        %get3A_912 = arith.constant 1808 : index
        %get3A_913 = tpu.vector_load %arg8[%get3A_912] {strides = array<i32>} : memref<2048xf32, #tpu.memory_space<vmem>>, vector<16xf32>,
        %add3A_914 = arith.addf %get3A_911, %get3A_913 : vector<16xf32>
        %swap3A_915 = arith.constant 1808 : index
        %swap3A_916 = tpu.vector_load %arg7[%swap3A_915] {strides = array<i32>} : memref<2048xf32, #tpu.memory_space<vmem>>, vector<16xf32>,
        tpu.vector_store %arg7[%swap3A_915], %add3A_914 {strides = array<i32>} : memref<2048xf32, #tpu.memory_space<vmem>>, vector<16xf32>,
        %get3A_917 = arith.constant 1824 : index
        %get3A_918 = tpu.vector_load %arg7[%get3A_917] {strides = array<i32>} : memref<2048xf32, #tpu.memory_space<vmem>>, vector<16xf32>,
        %get3A_919 = arith.constant 1824 : index
        %get3A_920 = tpu.vector_load %arg8[%get3A_919] {strides = array<i32>} : memref<2048xf32, #tpu.memory_space<vmem>>, vector<16xf32>,
        %add3A_921 = arith.addf %get3A_918, %get3A_920 : vector<16xf32>
        %swap3A_922 = arith.constant 1824 : index
        %swap3A_923 = tpu.vector_load %arg7[%swap3A_922] {strides = array<i32>} : memref<2048xf32, #tpu.memory_space<vmem>>, vector<16xf32>,
        tpu.vector_store %arg7[%swap3A_922], %add3A_921 {strides = array<i32>} : memref<2048xf32, #tpu.memory_space<vmem>>, vector<16xf32>,
        %get3A_924 = arith.constant 1840 : index
        %get3A_925 = tpu.vector_load %arg7[%get3A_924] {strides = array<i32>} : memref<2048xf32, #tpu.memory_space<vmem>>, vector<16xf32>,
        %get3A_926 = arith.constant 1840 : index
        %get3A_927 = tpu.vector_load %arg8[%get3A_926] {strides = array<i32>} : memref<2048xf32, #tpu.memory_space<vmem>>, vector<16xf32>,
        %add3A_928 = arith.addf %get3A_925, %get3A_927 : vector<16xf32>
        %swap3A_929 = arith.constant 1840 : index
        %swap3A_930 = tpu.vector_load %arg7[%swap3A_929] {strides = array<i32>} : memref<2048xf32, #tpu.memory_space<vmem>>, vector<16xf32>,
        tpu.vector_store %arg7[%swap3A_929], %add3A_928 {strides = array<i32>} : memref<2048xf32, #tpu.memory_space<vmem>>, vector<16xf32>,
        %get3A_931 = arith.constant 1856 : index
        %get3A_932 = tpu.vector_load %arg7[%get3A_931] {strides = array<i32>} : memref<2048xf32, #tpu.memory_space<vmem>>, vector<16xf32>,
        %get3A_933 = arith.constant 1856 : index
        %get3A_934 = tpu.vector_load %arg8[%get3A_933] {strides = array<i32>} : memref<2048xf32, #tpu.memory_space<vmem>>, vector<16xf32>,
        %add3A_935 = arith.addf %get3A_932, %get3A_934 : vector<16xf32>
        %swap3A_936 = arith.constant 1856 : index
        %swap3A_937 = tpu.vector_load %arg7[%swap3A_936] {strides = array<i32>} : memref<2048xf32, #tpu.memory_space<vmem>>, vector<16xf32>,
        tpu.vector_store %arg7[%swap3A_936], %add3A_935 {strides = array<i32>} : memref<2048xf32, #tpu.memory_space<vmem>>, vector<16xf32>,
        %get3A_938 = arith.constant 1872 : index
        %get3A_939 = tpu.vector_load %arg7[%get3A_938] {strides = array<i32>} : memref<2048xf32, #tpu.memory_space<vmem>>, vector<16xf32>,
        %get3A_940 = arith.constant 1872 : index
        %get3A_941 = tpu.vector_load %arg8[%get3A_940] {strides = array<i32>} : memref<2048xf32, #tpu.memory_space<vmem>>, vector<16xf32>,
        %add3A_942 = arith.addf %get3A_939, %get3A_941 : vector<16xf32>
        %swap3A_943 = arith.constant 1872 : index
        %swap3A_944 = tpu.vector_load %arg7[%swap3A_943] {strides = array<i32>} : memref<2048xf32, #tpu.memory_space<vmem>>, vector<16xf32>,
        tpu.vector_store %arg7[%swap3A_943], %add3A_942 {strides = array<i32>} : memref<2048xf32, #tpu.memory_space<vmem>>, vector<16xf32>,
        %get3A_945 = arith.constant 1888 : index
        %get3A_946 = tpu.vector_load %arg7[%get3A_945] {strides = array<i32>} : memref<2048xf32, #tpu.memory_space<vmem>>, vector<16xf32>,
        %get3A_947 = arith.constant 1888 : index
        %get3A_948 = tpu.vector_load %arg8[%get3A_947] {strides = array<i32>} : memref<2048xf32, #tpu.memory_space<vmem>>, vector<16xf32>,
        %add3A_949 = arith.addf %get3A_946, %get3A_948 : vector<16xf32>
        %swap3A_950 = arith.constant 1888 : index
        %swap3A_951 = tpu.vector_load %arg7[%swap3A_950] {strides = array<i32>} : memref<2048xf32, #tpu.memory_space<vmem>>, vector<16xf32>,
        tpu.vector_store %arg7[%swap3A_950], %add3A_949 {strides = array<i32>} : memref<2048xf32, #tpu.memory_space<vmem>>, vector<16xf32>,
        %get3A_952 = arith.constant 1904 : index
        %get3A_953 = tpu.vector_load %arg7[%get3A_952] {strides = array<i32>} : memref<2048xf32, #tpu.memory_space<vmem>>, vector<16xf32>,
        %get3A_954 = arith.constant 1904 : index
        %get3A_955 = tpu.vector_load %arg8[%get3A_954] {strides = array<i32>} : memref<2048xf32, #tpu.memory_space<vmem>>, vector<16xf32>,
        %add3A_956 = arith.addf %get3A_953, %get3A_955 : vector<16xf32>
        %swap3A_957 = arith.constant 1904 : index
        %swap3A_958 = tpu.vector_load %arg7[%swap3A_957] {strides = array<i32>} : memref<2048xf32, #tpu.memory_space<vmem>>, vector<16xf32>,
        tpu.vector_store %arg7[%swap3A_957], %add3A_956 {strides = array<i32>} : memref<2048xf32, #tpu.memory_space<vmem>>, vector<16xf32>,
        %get3A_959 = arith.constant 1920 : index
        %get3A_960 = tpu.vector_load %arg7[%get3A_959] {strides = array<i32>} : memref<2048xf32, #tpu.memory_space<vmem>>, vector<16xf32>,
        %get3A_961 = arith.constant 1920 : index
        %get3A_962 = tpu.vector_load %arg8[%get3A_961] {strides = array<i32>} : memref<2048xf32, #tpu.memory_space<vmem>>, vector<16xf32>,
        %add3A_963 = arith.addf %get3A_960, %get3A_962 : vector<16xf32>
        %swap3A_964 = arith.constant 1920 : index
        %swap3A_965 = tpu.vector_load %arg7[%swap3A_964] {strides = array<i32>} : memref<2048xf32, #tpu.memory_space<vmem>>, vector<16xf32>,
        tpu.vector_store %arg7[%swap3A_964], %add3A_963 {strides = array<i32>} : memref<2048xf32, #tpu.memory_space<vmem>>, vector<16xf32>,
        %get3A_966 = arith.constant 1936 : index
        %get3A_967 = tpu.vector_load %arg7[%get3A_966] {strides = array<i32>} : memref<2048xf32, #tpu.memory_space<vmem>>, vector<16xf32>,
        %get3A_968 = arith.constant 1936 : index
        %get3A_969 = tpu.vector_load %arg8[%get3A_968] {strides = array<i32>} : memref<2048xf32, #tpu.memory_space<vmem>>, vector<16xf32>,
        %add3A_970 = arith.addf %get3A_967, %get3A_969 : vector<16xf32>
        %swap3A_971 = arith.constant 1936 : index
        %swap3A_972 = tpu.vector_load %arg7[%swap3A_971] {strides = array<i32>} : memref<2048xf32, #tpu.memory_space<vmem>>, vector<16xf32>,
        tpu.vector_store %arg7[%swap3A_971], %add3A_970 {strides = array<i32>} : memref<2048xf32, #tpu.memory_space<vmem>>, vector<16xf32>,
        %get3A_973 = arith.constant 1952 : index
        %get3A_974 = tpu.vector_load %arg7[%get3A_973] {strides = array<i32>} : memref<2048xf32, #tpu.memory_space<vmem>>, vector<16xf32>,
        %get3A_975 = arith.constant 1952 : index
        %get3A_976 = tpu.vector_load %arg8[%get3A_975] {strides = array<i32>} : memref<2048xf32, #tpu.memory_space<vmem>>, vector<16xf32>,
        %add3A_977 = arith.addf %get3A_974, %get3A_976 : vector<16xf32>
        %swap3A_978 = arith.constant 1952 : index
        %swap3A_979 = tpu.vector_load %arg7[%swap3A_978] {strides = array<i32>} : memref<2048xf32, #tpu.memory_space<vmem>>, vector<16xf32>,
        tpu.vector_store %arg7[%swap3A_978], %add3A_977 {strides = array<i32>} : memref<2048xf32, #tpu.memory_space<vmem>>, vector<16xf32>,
        %get3A_980 = arith.constant 1968 : index
        %get3A_981 = tpu.vector_load %arg7[%get3A_980] {strides = array<i32>} : memref<2048xf32, #tpu.memory_space<vmem>>, vector<16xf32>,
        %get3A_982 = arith.constant 1968 : index
        %get3A_983 = tpu.vector_load %arg8[%get3A_982] {strides = array<i32>} : memref<2048xf32, #tpu.memory_space<vmem>>, vector<16xf32>,
        %add3A_984 = arith.addf %get3A_981, %get3A_983 : vector<16xf32>
        %swap3A_985 = arith.constant 1968 : index
        %swap3A_986 = tpu.vector_load %arg7[%swap3A_985] {strides = array<i32>} : memref<2048xf32, #tpu.memory_space<vmem>>, vector<16xf32>,
        tpu.vector_store %arg7[%swap3A_985], %add3A_984 {strides = array<i32>} : memref<2048xf32, #tpu.memory_space<vmem>>, vector<16xf32>,
        %get3A_987 = arith.constant 1984 : index
        %get3A_988 = tpu.vector_load %arg7[%get3A_987] {strides = array<i32>} : memref<2048xf32, #tpu.memory_space<vmem>>, vector<16xf32>,
        %get3A_989 = arith.constant 1984 : index
        %get3A_990 = tpu.vector_load %arg8[%get3A_989] {strides = array<i32>} : memref<2048xf32, #tpu.memory_space<vmem>>, vector<16xf32>,
        %add3A_991 = arith.addf %get3A_988, %get3A_990 : vector<16xf32>
        %swap3A_992 = arith.constant 1984 : index
        %swap3A_993 = tpu.vector_load %arg7[%swap3A_992] {strides = array<i32>} : memref<2048xf32, #tpu.memory_space<vmem>>, vector<16xf32>,
        tpu.vector_store %arg7[%swap3A_992], %add3A_991 {strides = array<i32>} : memref<2048xf32, #tpu.memory_space<vmem>>, vector<16xf32>,
        %get3A_994 = arith.constant 2000 : index
        %get3A_995 = tpu.vector_load %arg7[%get3A_994] {strides = array<i32>} : memref<2048xf32, #tpu.memory_space<vmem>>, vector<16xf32>,
        %get3A_996 = arith.constant 2000 : index
        %get3A_997 = tpu.vector_load %arg8[%get3A_996] {strides = array<i32>} : memref<2048xf32, #tpu.memory_space<vmem>>, vector<16xf32>,
        %add3A_998 = arith.addf %get3A_995, %get3A_997 : vector<16xf32>
        %swap3A_999 = arith.constant 2000 : index
        %swap3A_1000 = tpu.vector_load %arg7[%swap3A_999] {strides = array<i32>} : memref<2048xf32, #tpu.memory_space<vmem>>, vector<16xf32>,
        tpu.vector_store %arg7[%swap3A_999], %add3A_998 {strides = array<i32>} : memref<2048xf32, #tpu.memory_space<vmem>>, vector<16xf32>,
        %get3A_1001 = arith.constant 2016 : index
        %get3A_1002 = tpu.vector_load %arg7[%get3A_1001] {strides = array<i32>} : memref<2048xf32, #tpu.memory_space<vmem>>, vector<16xf32>,
        %get3A_1003 = arith.constant 2016 : index
        %get3A_1004 = tpu.vector_load %arg8[%get3A_1003] {strides = array<i32>} : memref<2048xf32, #tpu.memory_space<vmem>>, vector<16xf32>,
        %add3A_1005 = arith.addf %get3A_1002, %get3A_1004 : vector<16xf32>
        %swap3A_1006 = arith.constant 2016 : index
        %swap3A_1007 = tpu.vector_load %arg7[%swap3A_1006] {strides = array<i32>} : memref<2048xf32, #tpu.memory_space<vmem>>, vector<16xf32>,
        tpu.vector_store %arg7[%swap3A_1006], %add3A_1005 {strides = array<i32>} : memref<2048xf32, #tpu.memory_space<vmem>>, vector<16xf32>,
        %get3A_1008 = arith.constant 2032 : index
        %get3A_1009 = tpu.vector_load %arg7[%get3A_1008] {strides = array<i32>} : memref<2048xf32, #tpu.memory_space<vmem>>, vector<16xf32>,
        %get3A_1010 = arith.constant 2032 : index
        %get3A_1011 = tpu.vector_load %arg8[%get3A_1010] {strides = array<i32>} : memref<2048xf32, #tpu.memory_space<vmem>>, vector<16xf32>,
        %add3A_1012 = arith.addf %get3A_1009, %get3A_1011 : vector<16xf32>
        %swap3A_1013 = arith.constant 2032 : index
        %swap3A_1014 = tpu.vector_load %arg7[%swap3A_1013] {strides = array<i32>} : memref<2048xf32, #tpu.memory_space<vmem>>, vector<16xf32>,
        tpu.vector_store %arg7[%swap3A_1013], %add3A_1012 {strides = array<i32>} : memref<2048xf32, #tpu.memory_space<vmem>>, vector<16xf32>,
      }
      %scan3A_106 = arith.constant 15 : i32
      %scan3A_107 = arith.constant 0.000000e+00 : f32
      %scan3A_108 = arith.constant 0 : i32
      %scan3A_109 = arith.constant 64 : i32
      %scan3A_110 = arith.addi %scan3A_108, %scan3A_109 : i32
      %scan3A_111 = arith.constant 1 : i32
      %scan3A_112 = scf.for %scan3A_119 = %scan3A_108 to %scan3A_110 step %scan3A_111 iter_args(%scan3A_120 = %scan3A_107) -> (f32)  : i32 {
        %mul3A_121 = arith.constant 16 : i32
        %mul3A_122 = arith.muli %scan3A_119, %mul3A_121 : i32
        %get3A = arith.index_cast %mul3A_122 : i32 to index
        %get3A_123 = tpu.vector_load %arg7[%get3A] {strides = array<i32>} : memref<2048xf32, #tpu.memory_space<vmem>>, vector<16xf32>,
        %reduce_sum3A = arith.constant true
        %reduce_sum3A_124 = vector.broadcast %reduce_sum3A : i1 to vector<16xi1>
        %reduce_sum3A_125 = tpu.scan <sum>, %get3A_123 masked %reduce_sum3A_124 : vector<16xf32>, vector<16xi1> -> vector<16xf32>
        %reduce_sum3A_126 = vector.extract %reduce_sum3A_125[15] : f32 from vector<16xf32>
        %mul3A_127 = arith.constant 16 : i32
        %mul3A_128 = arith.muli %scan3A_119, %mul3A_127 : i32
        %add3A_129 = arith.constant 1024 : i32
        %add3A_130 = arith.addi %add3A_129, %mul3A_128 : i32
        %get3A_131 = arith.index_cast %add3A_130 : i32 to index
        %get3A_132 = tpu.vector_load %arg7[%get3A_131] {strides = array<i32>} : memref<2048xf32, #tpu.memory_space<vmem>>, vector<16xf32>,
        %reduce_sum3A_133 = arith.constant true
        %reduce_sum3A_134 = vector.broadcast %reduce_sum3A_133 : i1 to vector<16xi1>
        %reduce_sum3A_135 = tpu.scan <sum>, %get3A_132 masked %reduce_sum3A_134 : vector<16xf32>, vector<16xi1> -> vector<16xf32>
        %reduce_sum3A_136 = vector.extract %reduce_sum3A_135[15] : f32 from vector<16xf32>
        %mul3A_137 = arith.mulf %reduce_sum3A_126, %reduce_sum3A_136 : f32
        %add3A_138 = arith.addf %scan3A_120, %mul3A_137 : f32
        scf.yield %add3A_138 : f32
      }
      %scan3A_113 = arith.constant 64 : i32
      %mul3A_114 = arith.constant 1.49011612E-8 : f32
      %mul3A_115 = arith.mulf %scan3A_112, %mul3A_114 : f32
      %mul3A_116 = vector.broadcast %mul3A_115 : f32 to vector<16xf32>
      %mul3A_117 = arith.mulf %broadcast_in_dim3A_79, %mul3A_116 : vector<16xf32>
      %swap3A = arith.constant 0 : index
      %swap3A_118 = tpu.vector_load %arg9[%swap3A] {strides = array<i32>} : memref<16xf32, #tpu.memory_space<vmem>>, vector<16xf32>,
      tpu.vector_store %arg9[%swap3A], %mul3A_117 {strides = array<i32>} : memref<16xf32, #tpu.memory_space<vmem>>, vector<16xf32>,
      "tpu.region"() ({
        %run_scoped3A = tpu.sem_alloc : memref<!tpu.dma_semaphore, #tpu.memory_space<semaphore_mem>>
        tpu.enqueue_dma source(%arg9 : memref<16xf32, #tpu.memory_space<vmem>>) target(%arg4 : memref<16xf32, #tpu.memory_space<hbm>>) target_semaphore(%run_scoped3A : memref<!tpu.dma_semaphore, #tpu.memory_space<semaphore_mem>>)
        tpu.wait_dma2 semaphore(%run_scoped3A : memref<!tpu.dma_semaphore, #tpu.memory_space<semaphore_mem>>) src(%arg9 : memref<16xf32, #tpu.memory_space<vmem>>) dst(%arg4 : memref<16xf32, #tpu.memory_space<hbm>>)
        tpu.yield
      }) : () -> ()
    } else {
    }
    return
  }
}

</mosaic_0001>

<sc_bundles>
// kernel: kernel.3.cloned.1.call-start
scs
__scs_entry_jumppad:
0x0: {  	(pc) =	sbr.rel $0x88, $3  }
0x1: {  	(tag) =	ssettag $0x0;
	lr =	simm.s32 $0x1  }
0x2: {  	[smem:$0x3F9F] =	sst lr;
	_ =	strace $0xD0000000  }
0x3: {  	_ = 	snop  }
0x4: {  	_ = 	snop  }
0x5: {  	_ = 	snop  }
0x6: {  	_ = 	snop  }
0x7: {  	_ = 	snop  }
__scs_overlays_trampoline_lowered:
0x8: {  	[smem:$0x3FAE] =	sst s0  }
0x9: {  	[smem:$0x3FAF] =	sst s1  }
0xa: {  	[smem:$0x3FB0] =	sst s2  }
0xb: {  	[smem:$0x3FB1] =	sst s3  }
0xc: {  	[smem:$0x3FB2] =	sst s4  }
0xd: {  	[smem:$0x3FB3] =	sst s5  }
0xe: {  	[smem:$0x3FB4] =	sst s6  }
0xf: {  	[smem:$0x3FB5] =	sst s7  }
0x10: {  	[smem:$0x3FB6] =	sst s8  }
0x11: {  	[smem:$0x3FB7] =	sst s9;
	s0 =	simm.s32 @!p0 $0x0  }
0x12: {  	s1 =	sld [smem:$0x3F9D];
	s0 =	simm.s32 @p0 $0x1  }
0x13: {  	[smem:$0x3FB8] =	sst s0;
	s0 =	simm.s32 @!p1 $0x0  }
0x14: {  	s2 =	sld [smem:$0x3F9C];
	s0 =	simm.s32 @p1 $0x1  }
0x15: {  	[smem:$0x3FB9] =	sst s0;
	s0 =	simm.s32 @!p2 $0x0  }
0x16: {  	s3 =	sld [smem:$0x3FDB];
	s0 =	simm.s32 @p2 $0x1  }
0x17: {  	s4 =	simm.s32 $0x1BF5;
	[smem:$0x3FBB] =	sst s0  }
0x18: {  	s0 =	sld [smem:$0x3F9E];
	_ =	swait.ge [sflag:s4], $0x0  }
0x19: {  	s7 =	sld [smem:$0x3F9F]  }
0x1a: {  	s8 =	sadd.s32 $0xFFFFE003, lr  }
0x1b: {  	s9 =	sadd.s32 $0xFFFFFEF7, lr;
	s5 =	simm.s32 $0xFFFFFFFF;
	p2 =	slt.u32 s8, $0xFFFFF086  }
0x1c: {  	p1 =	slt.u32 s9, $0xF7A;
	s5 =	simm.s32 @!p2 $0x0  }
0x1d: {  	s5 =	simm.s32 @p1 $0x1;
	p0 =	seq.s32 s7, s2  }
0x1e: {  	s7 =	smul.u32 @!p0 $0xF7A, s2;
	p2 =	seq.s32 @!p0 s5, $0x0  }
0x1f: {  	s9 =	smul.u32 $0xF7A, s1;
	s8 =	simm.s32 @!p0 $0x1BF5;
	p2 =	por !p2, p0  }
0x20: {  	[sflag:s8] =	ssyncset.s32 @!p0 $0xFFFFF086;
	s6 =	sadd.s32 @!p0 s3, s7;
	s7 =	simm.s32 @!p0 $0x108  }
0x21: {  	s3 =	sadd.s32 s3, s9;
	s6 =	sadd.s32 @!p0 $0x88, s6;
	s7 =	simm.s32 @p2 $0x1082  }
0x22: {  	[simem:s7], [sflag:s8] =	dma.local @!p0 [hbm:s6], $0xF7A  }
0x23: {  	s9 =	sor.u32 $0xD0000000, s2;
	s6 =	simm.s32 $0x108;
	_ =	swait.ge @!p0 [sflag:s8], $0x0  }
0x24: {  	s3 =	sadd.s32 $0x88, s3;
	s6 =	simm.s32 @!p1 $0x1082;
	[sflag:s4] =	ssyncset.s32 $0xFFFFF086  }
0x25: {  	[simem:s6], [sflag:s4] =	dma.local [hbm:s3], $0xF7A  }
0x26: {  	[smem:$0x3F9F] =	sst s1;
	(tag) =	ssettag s2;
	_ =	strace s9  }
0x27: {  	s1 =	sld [smem:$0x3FAF]  }
0x28: {  	s2 =	sld [smem:$0x3FB0]  }
0x29: {  	s4 =	sld [smem:$0x3FB2]  }
0x2a: {  	p0 =	seq.s32 s5, $0x0;
	s5 =	sld [smem:$0x3FB3]  }
0x2b: {  	s6 =	sld [smem:$0x3FB4]  }
0x2c: {  	s7 =	sld [smem:$0x3FB5]  }
0x2d: {  	s3 =	simm.s32 $0x108;
	s8 =	sld [smem:$0x3FB6]  }
0x2e: {  	s3 =	simm.s32 @!p0 $0x1082;
	s9 =	sld [smem:$0x3FB7]  }
0x2f: {  	lr =	sadd.s32 s0, s3;
	s0 =	sld [smem:$0x3FAE]  }
0x30: {  	s3 =	sld [smem:$0x3FB1]  }
0x31: {  	[smem:$0x3FBA] =	sst s10  }
0x32: {  	s10 =	sld [smem:$0x3FB8];
	_ =	sdelay $0x3  }
0x33: {  	p0 =	seq.s32 s10, $0x1;
	s10 =	sld [smem:$0x3FBA];
	_ =	sdelay $0x3  }
0x34: {  	[smem:$0x3FBA] =	sst s10  }
0x35: {  	s10 =	sld [smem:$0x3FB9];
	_ =	sdelay $0x3  }
0x36: {  	p1 =	seq.s32 s10, $0x1;
	s10 =	sld [smem:$0x3FBA];
	_ =	sdelay $0x3  }
0x37: {  	[smem:$0x3FBA] =	sst s10  }
0x38: {  	s10 =	sld [smem:$0x3FBB]  }
0x39: {  	_ = 	snop;
	(pc) =	sbr.ind lr, $3  }
0x3a: {  	_ = 	snop  }
0x3b: {  	_ = 	snop  }
0x3c: {  	p2 =	seq.s32 s10, $0x1;
	s10 =	sld [smem:$0x3FBA]  }
0x3d: {  	_ =	shalt  }
0x3e: {  	_ =	shalt  }
0x3f: {  	_ =	shalt  }
0x40: {  	_ =	shalt  }
0x41: {  	_ =	shalt  }
0x42: {  	_ =	shalt  }
0x43: {  	_ =	shalt  }
0x44: {  	_ =	shalt  }
0x45: {  	_ =	shalt  }
0x46: {  	_ =	shalt  }
0x47: {  	_ =	shalt  }
0x48: {  	_ =	shalt  }
0x49: {  	_ =	shalt  }
0x4a: {  	_ =	shalt  }
0x4b: {  	_ =	shalt  }
0x4c: {  	_ =	shalt  }
0x4d: {  	_ =	shalt  }
0x4e: {  	_ =	shalt  }
0x4f: {  	_ =	shalt  }
0x50: {  	_ =	shalt  }
0x51: {  	_ =	shalt  }
0x52: {  	_ =	shalt  }
0x53: {  	_ =	shalt  }
0x54: {  	_ =	shalt  }
0x55: {  	_ =	shalt  }
0x56: {  	_ =	shalt  }
0x57: {  	_ =	shalt  }
0x58: {  	_ =	shalt  }
0x59: {  	_ =	shalt  }
0x5a: {  	_ =	shalt  }
0x5b: {  	_ =	shalt  }
0x5c: {  	_ =	shalt  }
0x5d: {  	_ =	shalt  }
0x5e: {  	_ =	shalt  }
0x5f: {  	_ =	shalt  }
0x60: {  	_ =	shalt  }
0x61: {  	_ =	shalt  }
0x62: {  	_ =	shalt  }
0x63: {  	_ =	shalt  }
0x64: {  	_ =	shalt  }
0x65: {  	_ =	shalt  }
0x66: {  	_ =	shalt  }
0x67: {  	_ =	shalt  }
0x68: {  	_ =	shalt  }
0x69: {  	_ =	shalt  }
0x6a: {  	_ =	shalt  }
0x6b: {  	_ =	shalt  }
0x6c: {  	_ =	shalt  }
0x6d: {  	_ =	shalt  }
0x6e: {  	_ =	shalt  }
0x6f: {  	_ =	shalt  }
0x70: {  	_ =	shalt  }
0x71: {  	_ =	shalt  }
0x72: {  	_ =	shalt  }
0x73: {  	_ =	shalt  }
0x74: {  	_ =	shalt  }
0x75: {  	_ =	shalt  }
0x76: {  	_ =	shalt  }
0x77: {  	_ =	shalt  }
0x78: {  	_ =	shalt  }
0x79: {  	_ =	shalt  }
0x7a: {  	_ =	shalt  }
0x7b: {  	_ =	shalt  }
0x7c: {  	_ =	shalt  }
0x7d: {  	_ =	shalt  }
0x7e: {  	_ =	shalt  }
0x7f: {  	_ =	shalt  }
0x80: {  	_ =	shalt  }
0x81: {  	_ =	shalt  }
0x82: {  	_ =	shalt  }
0x83: {  	_ =	shalt  }
0x84: {  	_ =	shalt  }
0x85: {  	_ =	shalt  }
0x86: {  	_ =	shalt  }
0x87: {  	_ =	shalt  }
.Lfunc_end0:
.L_simem_size_0:
called_computation_lowered:
.L_overlay_start_0:
0x88: {  	s0 =	sld [smem:$0x3FD9]  }
0x89: {  	s1 =	sld [smem:$0x3FFE];
	_ =	sdelay $0x3  }
0x8a: {  	s0 =	sadd.s32 s1, s0  }
0x8b: {  	[smem:$0x3FC6] =	sst s0  }
0x8c: {  	_ = 	snop  }
0x8d: {  	s0 =	sld [smem:$0x3FD0];
	(tm) =	ssettm $0x1  }
0x8e: {  	s16 =	sld [smem:$0x3FFB];
	_ =	sdelay $0x3  }
0x8f: {  	_ =	strace s16  }
0x90: {  	s1 =	sld [smem:$0x3FFC];
	_ =	sdelay $0x3  }
0x91: {  	_ =	strace s1  }
0x92: {  	s1 =	sld [smem:$0x3FFD];
	_ =	sdelay $0x3  }
0x93: {  	_ =	strace s1  }
0x94: {  	_ =	strace $0x8FFFFFFF  }
0x95: {  	s17 =	sld [smem:$0x3FDB];
	_ =	sdelay $0x1  }
0x96: {  	s2 =	simm.s32 $_scs_section_size  }
0x97: {  	s3 =	simm.s32 $_size__tile_overlayer_lowered;
	s4 =	simm.s32 $_tile_overlayer_lowered  }
0x98: {  	s20 =	simm.s32 $0x1BFF;
	s19 =	sshll.u32 s4, $0x1;
	s1 =	sadd.s32 s2, s17  }
0x99: {  	s5 =	simm.s32 $0x0;
	s18 =	sshll.u32 s3, $0x1;
	s3 =	sadd.s32 s19, s1  }
0x9a: {  	[timem:s5], [sflag:s20] =	dma.local [hbm:s3], s18  }
0x9b: {  	_ =	swait.ge [sflag:s20], s18  }
0x9c: {  	s2 =	ssub.s32 $0x0, s18;
	[sflag:s20] =	ssyncset.done $0x0  }
0x9d: {  	[sflag:s20] =	ssyncadd.s32 s2;
	_ =	sdelay $0x1  }
0x9e: {  	s21 =	simm.s32 $0x1B8B  }
0x9f: {  	_ =	swait.ge [sflag:s21], $0x1  }
0xa0: {  	[sflag:s21] =	ssyncset.done $0x0  }
0xa1: {  	s23 =	simm.s32 $0x1B8E;
	s22 =	sld [smem:$0x3FFE];
	[sflag:s21] =	ssyncadd.s32 $0xFFFFFFFF  }
0xa2: {  	s24 =	simm.s32 $execute0_lowered;
	[smem:$0x3FD2] =	sst s23  }
0xa3: {  	s3 =	sshll.u32 s24, $0x1;
	_ =	strace $0x80000046;
	[dreg:$0x1] =	wrdreg $0xFFFFFFFF  }
0xa4: {  	s25 =	simm.s32 $_size_execute0_lowered;
	s1 =	sadd.s32 s1, s3;
	[dreg:$0x0] =	wrdreg $0x0  }
0xa5: {  	s3 =	sshll.u32 s25, $0x1;
	[dreg:$0x2] =	wrdreg s1  }
0xa6: {  	[dreg:$0x3] =	wrdreg s3  }
0xa7: {  	[dreg:$0x4] =	wrdreg $0xC0  }
0xa8: {  	_ =	task [dreg:s5], $0x5FFFF  }
0xa9: {  	[dreg:$0x1] =	wrdreg $0xFFFFFFFF  }
0xaa: {  	[dreg:$0x0] =	wrdreg $0x60  }
0xab: {  	[dreg:$0x2] =	wrdreg s22  }
0xac: {  	[dreg:$0x3] =	wrdreg s0  }
0xad: {  	[dreg:$0x4] =	wrdreg $0x30100  }
0xae: {  	[dreg:$0x5] =	wrdreg $0x9  }
0xaf: {  	_ =	task.clear_ibuf [dreg:s5], $0x6FFFF;
	_ =	strace $0x90000046  }
0xb0: {  	s26 =	simm.s32 $0x9;
	_ =	strace $0x80000048  }
0xb1: {  	_ =	swait.ge [sflag:s26], $0x1  }
0xb2: {  	[sflag:s26] =	ssyncadd.s32 $0xFFFFFFFF  }
0xb3: {  	_ =	strace $0x90000048  }
0xb4: {  	_ =	sfence  }
0xb5: {  	s28 =	sld [smem:$0x0];
	_ =	sdelay $0x1  }
0xb6: {  	s29 =	srdreg.scid  }
0xb7: {  	s30 =	sshll.u32 s29, $0xD;
	s31 =	sshrl.u32 s29, $0x2  }
0xb8: {  	s2 =	sand.u32 $0x4000, s30;
	s1 =	sand.u32 $0x1, s29;
	s0 =	sadd.s32 s31, s28  }
0xb9: {  	s1 =	sor.u32 s2, s1;
	s0 =	sshll.u32 s0, $0x11  }
0xba: {  	s0 =	sor.u32 s0, s1  }
0xbb: {  	s0 =	sadd.s32 $0x8F2B, s0  }
0xbc: {  	[sflag:s0] =	ssyncadd.remote.s32 $0x1  }
0xbd: {  	_ =	sfence.sel $0xFFFF  }
0xbe: {  	[dreg:$0x0] =	wrdreg $0xFFFFFFFF;
	(pc) =	sbr.abs _section_cstart, $3  }
0xbf: {  	[dreg:$0x1] =	wrdreg $0xFFFFFFFF  }
0xc0: {  	_ =	task.clear_ibuf [dreg:s5], $0x2FFFF;
	_ =	strace $0x9FFFFFFF  }
0xc1: {  	(tm) =	ssettm $0x7FFFFFFF  }
tec
execute0_lowered:
.L_overlay_start_1:
0x0: {  	(tag) =	ssettag $0x1  }
0x1: {  	s3 =	rddreg [dreg:$0x0]  }
0x2: {  	s1 =	rddreg [dreg:$0x1];
	s4 =	stileid.u32  }
0x3: {  	s2 =	rddreg [dreg:$0x2];
	s5 =	simm.s32 $0x0;
	s6 =	sshll.u32 s4, $0x9  }
0x4: {  	[smem:$0x7FF] =	sst s5;
	s3 =	sadd.s32 s6, s3  }
0x5: {  	s0 =	rddreg [dreg:$0x3];
	_ =	strace $0x80000047;
	s6 =	sadd.s32 $0x2600, s3  }
0x6: {  	[tilespmem:s5], [sflag:$0x1] =	stream.linear.gather [hbm4b:s6+s5], $0x1000, $0x38;
	[tilespmem:$0x3810] =	vst v63  }
0x7: {  	s31 =	simm.s32 $0x1000;
	s3 =	sadd.s32 $0x600, s3  }
0x8: {  	[tilespmem:s31], [sflag:$0x2] =	stream.linear.gather [hbm4b:s3+s5], $0x1000, $0x38;
	[tilespmem:$0x3810] =	vst v63  }
0x9: {  	v0 =	vimm.f32 $0.0e+00;
	s3 =	simm.s32 $0x40;
	s5 =	simm.s32 $0x0  }
.LBB2_1:
0xa: {  	p0 =	sne.s32 s3, $0x1FC0;
	[tilespmem:s5+$0x2000] =	vst v0;
	s5 =	smov.u32 s3;
	s3 =	sadd.s32 $0x40, s3  }
.Ltmp0:
0xb: {  	(pc) =	sbr.rel @p0 .LBB2_1-.Ltmp0, $2  }
0xc: {  	_ =	sdelay $0x2  }
0xd: {  	s5 =	sshra.s32 s5, $0x2  }
0xe: {  	[tilespmem:s5+$0x2000] =	vst v0;
	s3 =	simm.s32 $0x1  }
0xf: {  	_ =	swait.ge [sflag:s3], $0x1000  }
0x10: {  	[sflag:s3] =	ssyncset.done $0x0  }
0x11: {  	s31 =	simm.s32 $0x2;
	[sflag:s3] =	ssyncadd.s32 $0xFFFFF000  }
0x12: {  	_ =	swait.ge [sflag:s31], $0x1000  }
0x13: {  	v1 =	vlaneseq.u32;
	s6 =	simm.s32 $0x0;
	[sflag:s31] =	ssyncset.done $0x0  }
0x14: {  	v0 =	vimm.f32 $1.000000000e+00;
	s5 =	simm.s32 $0x40;
	v3 =	vor.u32 $0x400, v1;
	v2 =	vand.u32 $0x7, v1;
	s3 =	simm.s32 $0x2000;
	[sflag:s31] =	ssyncadd.s32 $0xFFFFF000  }
.LBB2_3:
0x15: {  	p0 =	sne.s32 s5, $0x3FC0;
	v4 =	vld [tilespmem:s6+$0x0];
	_ =	sdelay $0x4  }
0x16: {  	v4 =	vshll.u32 v4, $0x4  }
0x17: {  	v5 =	vadd.s32 v3, v4  }
0x18: {  	v4 =	vor.u32 v1, v4;
	v5 =	vand.u32 $0xFFFFFFF8, v5  }
0x19: {  	v6 =	vld [tilespmem:s6+$0x1000];
	v5 =	vor.u32 v2, v5  }
.Ltmp1:
0x1a: {  	(pc) =	sbr.rel @p0 .LBB2_3-.Ltmp1, $3  }
0x1b: {  	_ =	sdelay $0x1  }
0x1c: {  	[tilespmem:v4+s3+$0x0] =	vst.idx.add.f32.msk $0xffff, v0  }
0x1d: {  	s6 =	sshra.s32 s5, $0x2;
	s5 =	sadd.s32 $0x40, s5;
	[tilespmem:v5+s3+$0x0] =	vst.idx.add.f32.msk $0xffff, v6  }
0x1e: {  	v4 =	vld [tilespmem:s6+$0x0];
	_ =	sdelay $0x4  }
0x1f: {  	v4 =	vshll.u32 v4, $0x4  }
0x20: {  	v3 =	vadd.s32 v3, v4  }
0x21: {  	v1 =	vor.u32 v1, v4;
	v3 =	vand.u32 $0xFFFFFFF8, v3  }
0x22: {  	v63 =	vld [tilespmem:s6+$0x1000];
	v2 =	vor.u32 v2, v3;
	_ =	sdelay $0x3  }
0x23: {  	s5 =	sshll.u32 s4, $0xB;
	[tilespmem:v1+s3+$0x0] =	vst.idx.add.f32.msk $0xffff, v0  }
0x24: {  	s31 =	simm.s32 $0x2000;
	s30 =	sadd.s32 s5, s2;
	[tilespmem:v2+s3+$0x0] =	vst.idx.add.f32.msk $0xffff, v63;
	s3 =	simm.s32 $0x3  }
0x25: {  	[spmem:s30] =	stream.linear.scatter [tilespmem:s31], [sflag:$0x3], $0x800, $0x38;
	[tilespmem:$0x3810] =	vst v63  }
0x26: {  	_ =	swait.ge [sflag:s3], $0x800  }
0x27: {  	[sflag:s3] =	ssyncset.done $0x0  }
0x28: {  	[sflag:s3] =	ssyncadd.s32 $0xFFFFF800  }
0x29: {  	p0 =	sne.s32 s4, $0x0;
	[bflag:$0x0] =	sbarrier.arrive $0xFFFF  }
0x2a: {  	_ =	sfence.sel @p0 $0x180000  }
0x2b: {  	[bflag:$0x0] =	sbarrier.arrive @p0 $0xFFFF  }
0x2c: {  	_ =	strace @p0 $0x90000047  }
0x2d: {  	[bflag:$0x2] =	sbarrier.arrive @p0 $0xFFFF  }
0x2e: {  	_ =	shalt @p0  }
.LBB2_5:
0x2f: {  	s4 =	simm.s32 $0x2800;
	s5 =	sadd.s32 $0x800, s2  }
0x30: {  	[tilespmem:s4], [sflag:$0x3] =	stream.linear.gather [spmem:s5], $0x800, $0x38;
	[tilespmem:$0x3810] =	vst v63  }
0x31: {  	_ =	swait.ge [sflag:s3], $0x800  }
0x32: {  	[sflag:s3] =	ssyncset.done $0x0  }
0x33: {  	[sflag:s3] =	ssyncadd.s32 $0xFFFFF800  }
0x34: {  	v0 =	vld [tilespmem:$0x2820]  }
0x35: {  	v3 =	vld [tilespmem:$0x2040]  }
0x36: {  	v2 =	vld [tilespmem:$0x2050]  }
0x37: {  	v1 =	vld [tilespmem:$0x2850]  }
0x38: {  	v5 =	vld [tilespmem:$0x2060]  }
0x39: {  	[tilespmem:$0x1FFE0] =	vst v0;
	v0 =	vld [tilespmem:$0x2FF0]  }
0x3a: {  	v4 =	vld [tilespmem:$0x2860]  }
0x3b: {  	v7 =	vld [tilespmem:$0x2070]  }
0x3c: {  	v6 =	vld [tilespmem:$0x2870]  }
0x3d: {  	v9 =	vld [tilespmem:$0x2080]  }
0x3e: {  	[tilespmem:$0x1FFF0] =	vst v0;
	v0 =	vld [tilespmem:$0x2810]  }
0x3f: {  	v8 =	vld [tilespmem:$0x2880]  }
0x40: {  	v12 =	vld [tilespmem:$0x2090]  }
0x41: {  	v10 =	vld [tilespmem:$0x2890]  }
0x42: {  	v14 =	vld [tilespmem:$0x20A0]  }
0x43: {  	[tilespmem:$0x1FFC0] =	vst v0;
	v0 =	vld [tilespmem:$0x2FB0]  }
0x44: {  	v11 =	vld [tilespmem:$0x28A0]  }
0x45: {  	v16 =	vld [tilespmem:$0x20B0]  }
0x46: {  	v13 =	vld [tilespmem:$0x28B0]  }
0x47: {  	v18 =	vld [tilespmem:$0x20C0]  }
0x48: {  	[tilespmem:$0x1FFD0] =	vst v0;
	v0 =	vld [tilespmem:$0x2800]  }
0x49: {  	v15 =	vld [tilespmem:$0x28C0]  }
0x4a: {  	v20 =	vld [tilespmem:$0x20D0]  }
0x4b: {  	v17 =	vld [tilespmem:$0x28D0]  }
0x4c: {  	v22 =	vld [tilespmem:$0x20E0]  }
0x4d: {  	[tilespmem:$0x1FFA0] =	vst v0;
	v0 =	vld [tilespmem:$0x2EA0]  }
0x4e: {  	v19 =	vld [tilespmem:$0x28E0]  }
0x4f: {  	v24 =	vld [tilespmem:$0x20F0]  }
0x50: {  	v21 =	vld [tilespmem:$0x28F0]  }
0x51: {  	v57 =	vld [tilespmem:$0x2100]  }
0x52: {  	[tilespmem:$0x1FFB0] =	vst v0;
	v0 =	vld [tilespmem:$0x2D50]  }
0x53: {  	v23 =	vld [tilespmem:$0x2900]  }
0x54: {  	v58 =	vld [tilespmem:$0x2110]  }
0x55: {  	v25 =	vld [tilespmem:$0x2910]  }
0x56: {  	v49 =	vld [tilespmem:$0x2120]  }
0x57: {  	[tilespmem:$0x1FF90] =	vst v0;
	v0 =	vld [tilespmem:$0x2840]  }
0x58: {  	v26 =	vld [tilespmem:$0x2920]  }
0x59: {  	v63 =	vld [tilespmem:$0x2240];
	_ =	sdelay $0x4  }
0x5a: {  	[tilespmem:$0x1FB10] =	vst v63;
	v63 =	vld [tilespmem:$0x2A40];
	_ =	sdelay $0x4  }
0x5b: {  	[tilespmem:$0x1FB20] =	vst v63;
	v63 =	vld [tilespmem:$0x2250];
	_ =	sdelay $0x4  }
0x5c: {  	[tilespmem:$0x1FB30] =	vst v63;
	v63 =	vld [tilespmem:$0x2A50];
	_ =	sdelay $0x4  }
0x5d: {  	[tilespmem:$0x1FB40] =	vst v63;
	v63 =	vld [tilespmem:$0x2260];
	_ =	sdelay $0x4  }
0x5e: {  	[tilespmem:$0x1FB50] =	vst v63;
	v63 =	vld [tilespmem:$0x2A60];
	_ =	sdelay $0x4  }
0x5f: {  	[tilespmem:$0x1FB60] =	vst v63;
	v63 =	vld [tilespmem:$0x2270];
	_ =	sdelay $0x4  }
0x60: {  	[tilespmem:$0x1FB70] =	vst v63;
	v63 =	vld [tilespmem:$0x2A70];
	_ =	sdelay $0x4  }
0x61: {  	[tilespmem:$0x1FB80] =	vst v63;
	v63 =	vld [tilespmem:$0x2280];
	_ =	sdelay $0x4  }
0x62: {  	[tilespmem:$0x1FB90] =	vst v63;
	v63 =	vld [tilespmem:$0x2A80];
	_ =	sdelay $0x4  }
0x63: {  	[tilespmem:$0x1FBA0] =	vst v63;
	v63 =	vld [tilespmem:$0x2290];
	_ =	sdelay $0x4  }
0x64: {  	[tilespmem:$0x1FBB0] =	vst v63;
	v63 =	vld [tilespmem:$0x2A90];
	_ =	sdelay $0x4  }
0x65: {  	[tilespmem:$0x1FBC0] =	vst v63;
	v63 =	vld [tilespmem:$0x22A0];
	_ =	sdelay $0x4  }
0x66: {  	[tilespmem:$0x1FBD0] =	vst v63;
	v63 =	vld [tilespmem:$0x2AA0];
	_ =	sdelay $0x4  }
0x67: {  	[tilespmem:$0x1FBE0] =	vst v63;
	v63 =	vld [tilespmem:$0x22B0];
	_ =	sdelay $0x4  }
0x68: {  	[tilespmem:$0x1FBF0] =	vst v63;
	v63 =	vld [tilespmem:$0x2AB0];
	_ =	sdelay $0x3  }
0x69: {  	v50 =	vld [tilespmem:$0x2130]  }
0x6a: {  	[tilespmem:$0x1FC00] =	vst v63;
	v63 =	vld [tilespmem:$0x22C0]  }
0x6b: {  	v27 =	vld [tilespmem:$0x2930]  }
0x6c: {  	v42 =	vld [tilespmem:$0x2140]  }
0x6d: {  	v28 =	vld [tilespmem:$0x2940]  }
0x6e: {  	v39 =	vld [tilespmem:$0x2150]  }
0x6f: {  	[tilespmem:$0x1FC10] =	vst v63;
	v63 =	vld [tilespmem:$0x2AC0]  }
0x70: {  	v29 =	vld [tilespmem:$0x2950]  }
0x71: {  	v32 =	vld [tilespmem:$0x2160]  }
0x72: {  	v30 =	vld [tilespmem:$0x2960]  }
0x73: {  	v33 =	vld [tilespmem:$0x2170]  }
0x74: {  	[tilespmem:$0x1FC20] =	vst v63;
	v63 =	vld [tilespmem:$0x22D0]  }
0x75: {  	v31 =	vld [tilespmem:$0x2970]  }
0x76: {  	v36 =	vld [tilespmem:$0x2180]  }
0x77: {  	v34 =	vld [tilespmem:$0x2980]  }
0x78: {  	v38 =	vld [tilespmem:$0x2190]  }
0x79: {  	[tilespmem:$0x1FC30] =	vst v63;
	v63 =	vld [tilespmem:$0x2AD0]  }
0x7a: {  	v35 =	vld [tilespmem:$0x2990]  }
0x7b: {  	v41 =	vld [tilespmem:$0x21A0]  }
0x7c: {  	v37 =	vld [tilespmem:$0x29A0]  }
0x7d: {  	v43 =	vld [tilespmem:$0x21B0]  }
0x7e: {  	[tilespmem:$0x1FC40] =	vst v63;
	v63 =	vld [tilespmem:$0x22E0]  }
0x7f: {  	v40 =	vld [tilespmem:$0x29B0]  }
0x80: {  	v46 =	vld [tilespmem:$0x21C0]  }
0x81: {  	v44 =	vld [tilespmem:$0x29C0]  }
0x82: {  	v47 =	vld [tilespmem:$0x21D0]  }
0x83: {  	[tilespmem:$0x1FC50] =	vst v63;
	v63 =	vld [tilespmem:$0x2AE0]  }
0x84: {  	v45 =	vld [tilespmem:$0x29D0]  }
0x85: {  	v52 =	vld [tilespmem:$0x21E0]  }
0x86: {  	v48 =	vld [tilespmem:$0x29E0]  }
0x87: {  	v54 =	vld [tilespmem:$0x21F0]  }
0x88: {  	[tilespmem:$0x1FC60] =	vst v63;
	v63 =	vld [tilespmem:$0x22F0]  }
0x89: {  	v51 =	vld [tilespmem:$0x29F0]  }
0x8a: {  	v56 =	vld [tilespmem:$0x2200]  }
0x8b: {  	v53 =	vld [tilespmem:$0x2A00]  }
0x8c: {  	v60 =	vld [tilespmem:$0x2210]  }
0x8d: {  	[tilespmem:$0x1FC70] =	vst v63;
	v63 =	vld [tilespmem:$0x2AF0]  }
0x8e: {  	v55 =	vld [tilespmem:$0x2A10]  }
0x8f: {  	v62 =	vld [tilespmem:$0x2220]  }
0x90: {  	v59 =	vld [tilespmem:$0x2A20]  }
0x91: {  	v61 =	vld [tilespmem:$0x2230]  }
0x92: {  	v1 =	vadd.f32 v1, v2;
	[tilespmem:$0x1FC80] =	vst v63;
	v63 =	vld [tilespmem:$0x2300]  }
0x93: {  	v2 =	vld [tilespmem:$0x2C30]  }
0x94: {  	[tilespmem:$0x2050] =	vst v1;
	v1 =	vadd.f32 v6, v7;
	v6 =	vld [tilespmem:$0x2D10]  }
0x95: {  	v7 =	vld [tilespmem:$0x2520]  }
0x96: {  	[tilespmem:$0x2070] =	vst v1;
	v1 =	vadd.f32 v10, v12;
	v10 =	vld [tilespmem:$0x2CD0]  }
0x97: {  	[tilespmem:$0x1FC90] =	vst v63;
	v63 =	vld [tilespmem:$0x2B00]  }
0x98: {  	v0 =	vadd.f32 v0, v3;
	v3 =	vld [tilespmem:$0x2C20];
	[tilespmem:$0x2090] =	vst v1  }
0x99: {  	[tilespmem:$0x1FB00] =	vst v61;
	v61 =	vld [tilespmem:$0x2A30]  }
0x9a: {  	[tilespmem:$0x1FEF0] =	vst v2;
	v2 =	vld [tilespmem:$0x2440]  }
0x9b: {  	v1 =	vadd.f32 v13, v16;
	[tilespmem:$0x2040] =	vst v0;
	v0 =	vadd.f32 v4, v5;
	v4 =	vld [tilespmem:$0x2D00]  }
0x9c: {  	v12 =	vadd.f32 v45, v47;
	[tilespmem:$0x1FCA0] =	vst v63;
	v63 =	vld [tilespmem:$0x2310]  }
0x9d: {  	v13 =	vadd.f32 v48, v52;
	[tilespmem:$0x20B0] =	vst v1;
	v5 =	vld [tilespmem:$0x2510]  }
0x9e: {  	v1 =	vadd.f32 v17, v20;
	[tilespmem:$0x21D0] =	vst v12;
	v12 =	vld [tilespmem:$0x2D30]  }
0x9f: {  	[tilespmem:$0x21E0] =	vst v13;
	v13 =	vld [tilespmem:$0x2540]  }
0xa0: {  	[tilespmem:$0x20D0] =	vst v1;
	v1 =	vadd.f32 v21, v24;
	v21 =	vld [tilespmem:$0x1FB10]  }
0xa1: {  	v17 =	vadd.f32 v59, v62;
	[tilespmem:$0x1FCB0] =	vst v63;
	v63 =	vld [tilespmem:$0x2B10]  }
0xa2: {  	[tilespmem:$0x2060] =	vst v0;
	v0 =	vadd.f32 v8, v9;
	v8 =	vld [tilespmem:$0x2D20]  }
0xa3: {  	[tilespmem:$0x2220] =	vst v17;
	v9 =	vld [tilespmem:$0x2530]  }
0xa4: {  	v17 =	vld [tilespmem:$0x2000];
	[tilespmem:$0x1FEE0] =	vst v3  }
0xa5: {  	[tilespmem:$0x1FF00] =	vst v2;
	v2 =	vld [tilespmem:$0x2C40]  }
0xa6: {  	[tilespmem:$0x1FCC0] =	vst v63;
	v63 =	vld [tilespmem:$0x2320]  }
0xa7: {  	v3 =	vadd.f32 v44, v46;
	[tilespmem:$0x20F0] =	vst v1;
	v1 =	vadd.f32 v25, v58;
	v58 =	vld [tilespmem:$0x2490]  }
0xa8: {  	[tilespmem:$0x2080] =	vst v0;
	v0 =	vadd.f32 v11, v14;
	v11 =	vld [tilespmem:$0x24E0]  }
0xa9: {  	[tilespmem:$0x21C0] =	vst v3;
	v3 =	vld [tilespmem:$0x2500]  }
0xaa: {  	[tilespmem:$0x2110] =	vst v1;
	v1 =	vadd.f32 v27, v50;
	v50 =	vld [tilespmem:$0x24A0]  }
0xab: {  	v14 =	vadd.f32 v51, v54;
	[tilespmem:$0x1FCD0] =	vst v63;
	v63 =	vld [tilespmem:$0x2B20]  }
0xac: {  	[tilespmem:$0x20A0] =	vst v0;
	v0 =	vadd.f32 v15, v18;
	v18 =	vld [tilespmem:$0x1FB00]  }
0xad: {  	[tilespmem:$0x21F0] =	vst v14;
	v14 =	vld [tilespmem:$0x2D40]  }
0xae: {  	[tilespmem:$0x2130] =	vst v1;
	v1 =	vadd.f32 v29, v39;
	v39 =	vld [tilespmem:$0x24B0]  }
0xaf: {  	[tilespmem:$0x20C0] =	vst v0;
	v0 =	vadd.f32 v19, v22;
	v22 =	vld [tilespmem:$0x2CC0]  }
0xb0: {  	v15 =	vadd.f32 v53, v56;
	[tilespmem:$0x1FCE0] =	vst v63;
	v63 =	vld [tilespmem:$0x2330]  }
0xb1: {  	v19 =	vld [tilespmem:$0x24D0]  }
0xb2: {  	[tilespmem:$0x2200] =	vst v15;
	v15 =	vld [tilespmem:$0x2550]  }
0xb3: {  	[tilespmem:$0x1FF10] =	vst v2;
	v2 =	vld [tilespmem:$0x2450]  }
0xb4: {  	[tilespmem:$0x20E0] =	vst v0;
	v0 =	vadd.f32 v23, v57;
	v57 =	vld [tilespmem:$0x2C80]  }
0xb5: {  	[tilespmem:$0x1FCF0] =	vst v63;
	v63 =	vld [tilespmem:$0x2B30]  }
0xb6: {  	[tilespmem:$0x2150] =	vst v1;
	v1 =	vadd.f32 v31, v33;
	v31 =	vld [tilespmem:$0x24C0]  }
0xb7: {  	v23 =	vld [tilespmem:$0x1FB20]  }
0xb8: {  	v25 =	vld [tilespmem:$0x1FB30]  }
0xb9: {  	[tilespmem:$0x2100] =	vst v0;
	v0 =	vadd.f32 v26, v49;
	v49 =	vld [tilespmem:$0x2C90]  }
0xba: {  	[tilespmem:$0x1FD00] =	vst v63;
	v63 =	vld [tilespmem:$0x2340]  }
0xbb: {  	v10 =	vadd.f32 v10, v19;
	v19 =	vld [tilespmem:$0x2670]  }
0xbc: {  	[tilespmem:$0x1FF20] =	vst v2;
	v2 =	vld [tilespmem:$0x2C50]  }
0xbd: {  	[tilespmem:$0x2120] =	vst v0;
	v0 =	vadd.f32 v28, v42;
	v42 =	vld [tilespmem:$0x2CA0]  }
0xbe: {  	[tilespmem:$0x2170] =	vst v1;
	v26 =	vld [tilespmem:$0x1FB40]  }
0xbf: {  	v1 =	vadd.f32 v35, v38;
	[tilespmem:$0x1FD10] =	vst v63;
	v63 =	vld [tilespmem:$0x2B40]  }
0xc0: {  	v24 =	vadd.f32 v23, v21;
	v21 =	vld [tilespmem:$0x2D60]  }
0xc1: {  	[tilespmem:$0x2190] =	vst v1;
	v23 =	vld [tilespmem:$0x2570]  }
0xc2: {  	[tilespmem:$0x24D0] =	vst v10;
	v10 =	vld [tilespmem:$0x26C0]  }
0xc3: {  	v1 =	vadd.f32 v40, v43;
	[tilespmem:$0x2140] =	vst v0;
	v0 =	vadd.f32 v30, v32;
	v30 =	vld [tilespmem:$0x2CB0]  }
0xc4: {  	[tilespmem:$0x1FD20] =	vst v63;
	v63 =	vld [tilespmem:$0x2350]  }
0xc5: {  	[tilespmem:$0x21B0] =	vst v1;
	v1 =	vld [tilespmem:$0x2CF0]  }
0xc6: {  	[tilespmem:$0x2240] =	vst v24;
	v24 =	vld [tilespmem:$0x2D70]  }
0xc7: {  	[tilespmem:$0x1FF30] =	vst v2;
	v2 =	vld [tilespmem:$0x2460]  }
0xc8: {  	[tilespmem:$0x2160] =	vst v0;
	v28 =	vld [tilespmem:$0x1FB50]  }
0xc9: {  	v0 =	vadd.f32 v34, v36;
	[tilespmem:$0x1FD30] =	vst v63;
	v63 =	vld [tilespmem:$0x2B50]  }
0xca: {  	v27 =	vadd.f32 v26, v25;
	v25 =	vld [tilespmem:$0x2580]  }
0xcb: {  	[tilespmem:$0x2180] =	vst v0;
	v0 =	vadd.f32 v37, v41;
	v26 =	vld [tilespmem:$0x2D80]  }
0xcc: {  	[tilespmem:$0x1FF40] =	vst v2;
	v2 =	vld [tilespmem:$0x2C60]  }
0xcd: {  	[tilespmem:$0x21A0] =	vst v0;
	v0 =	vld [tilespmem:$0x24F0]  }
0xce: {  	[tilespmem:$0x1FD40] =	vst v63;
	v63 =	vld [tilespmem:$0x2360]  }
0xcf: {  	[tilespmem:$0x2250] =	vst v27;
	v27 =	vld [tilespmem:$0x2590]  }
0xd0: {  	v29 =	vld [tilespmem:$0x1FB60]  }
0xd1: {  	[tilespmem:$0x1FF50] =	vst v2;
	v2 =	vld [tilespmem:$0x2470]  }
0xd2: {  	v0 =	vadd.f32 v1, v0;
	v1 =	vld [tilespmem:$0x2680]  }
0xd3: {  	[tilespmem:$0x1FD50] =	vst v63;
	v63 =	vld [tilespmem:$0x2B60]  }
0xd4: {  	[tilespmem:$0x24F0] =	vst v0;
	v0 =	vadd.f32 v6, v5;
	v5 =	vld [tilespmem:$0x2E90]  }
0xd5: {  	v6 =	vld [tilespmem:$0x26A0]  }
0xd6: {  	[tilespmem:$0x1FF60] =	vst v2;
	v2 =	vld [tilespmem:$0x2C70]  }
0xd7: {  	v33 =	vld [tilespmem:$0x1FB70]  }
0xd8: {  	[tilespmem:$0x1FD60] =	vst v63;
	v63 =	vld [tilespmem:$0x2370]  }
0xd9: {  	v32 =	vadd.f32 v29, v28;
	v28 =	vld [tilespmem:$0x2D90]  }
0xda: {  	v29 =	vld [tilespmem:$0x25A0];
	[tilespmem:$0x2510] =	vst v0;
	v0 =	vadd.f32 v12, v9  }
0xdb: {  	[tilespmem:$0x1FF70] =	vst v2;
	v2 =	vld [tilespmem:$0x2480]  }
0xdc: {  	[tilespmem:$0x2530] =	vst v0;
	v0 =	vld [tilespmem:$0x1FF90]  }
0xdd: {  	[tilespmem:$0x1FD70] =	vst v63;
	v63 =	vld [tilespmem:$0x2B70]  }
0xde: {  	v12 =	vld [tilespmem:$0x2EC0]  }
0xdf: {  	v34 =	vld [tilespmem:$0x1FB80]  }
0xe0: {  	[tilespmem:$0x1FF80] =	vst v2;
	v2 =	vld [tilespmem:$0x2CE0]  }
0xe1: {  	v0 =	vadd.f32 v0, v15;
	v15 =	vld [tilespmem:$0x26E0]  }
0xe2: {  	[tilespmem:$0x1FD80] =	vst v63;
	v63 =	vld [tilespmem:$0x2380]  }
0xe3: {  	v36 =	vld [tilespmem:$0x1FB90]  }
0xe4: {  	v37 =	vld [tilespmem:$0x1FBA0]  }
0xe5: {  	v2 =	vadd.f32 v2, v11;
	v11 =	vld [tilespmem:$0x2E70]  }
0xe6: {  	v40 =	vld [tilespmem:$0x1FBB0]  }
0xe7: {  	[tilespmem:$0x1FD90] =	vst v63;
	v63 =	vld [tilespmem:$0x2B80]  }
0xe8: {  	[tilespmem:$0x24E0] =	vst v2;
	v2 =	vadd.f32 v4, v3;
	v3 =	vld [tilespmem:$0x2E80]  }
0xe9: {  	v4 =	vld [tilespmem:$0x2690]  }
0xea: {  	[tilespmem:$0x2500] =	vst v2;
	v2 =	vadd.f32 v8, v7;
	v7 =	vld [tilespmem:$0x2010]  }
0xeb: {  	v41 =	vld [tilespmem:$0x1FBC0]  }
0xec: {  	[tilespmem:$0x1FDA0] =	vst v63;
	v63 =	vld [tilespmem:$0x2390]  }
0xed: {  	v8 =	vld [tilespmem:$0x26B0]  }
0xee: {  	v16 =	vadd.f32 v55, v60;
	[tilespmem:$0x2520] =	vst v2;
	v2 =	vadd.f32 v14, v13;
	v13 =	vld [tilespmem:$0x26D0]  }
0xef: {  	v14 =	vld [tilespmem:$0x2ED0]  }
0xf0: {  	[tilespmem:$0x2210] =	vst v16;
	v16 =	vadd.f32 v41, v40;
	v43 =	vld [tilespmem:$0x1FBD0]  }
0xf1: {  	[tilespmem:$0x1FDB0] =	vst v63;
	v63 =	vld [tilespmem:$0x2B90]  }
0xf2: {  	[tilespmem:$0x2290] =	vst v16;
	v16 =	vld [tilespmem:$0x2560]  }
0xf3: {  	v44 =	vld [tilespmem:$0x1FBE0]  }
0xf4: {  	v45 =	vld [tilespmem:$0x1FBF0]  }
0xf5: {  	v46 =	vld [tilespmem:$0x1FC00]  }
0xf6: {  	[tilespmem:$0x1FDC0] =	vst v63;
	v63 =	vld [tilespmem:$0x23A0]  }
0xf7: {  	v47 =	vld [tilespmem:$0x1FC10]  }
0xf8: {  	v48 =	vld [tilespmem:$0x1FC20]  }
0xf9: {  	v51 =	vld [tilespmem:$0x1FC30]  }
0xfa: {  	v52 =	vld [tilespmem:$0x1FC40]  }
0xfb: {  	[tilespmem:$0x1FDD0] =	vst v63;
	v63 =	vld [tilespmem:$0x2BA0]  }
0xfc: {  	v53 =	vld [tilespmem:$0x1FC50]  }
0xfd: {  	v20 =	vadd.f32 v61, v18;
	v54 =	vld [tilespmem:$0x1FC60]  }
0xfe: {  	v55 =	vld [tilespmem:$0x1FC70]  }
0xff: {  	[tilespmem:$0x2230] =	vst v20;
	v56 =	vld [tilespmem:$0x1FC80]  }
0x100: {  	[tilespmem:$0x1FDE0] =	vst v63;
	v63 =	vld [tilespmem:$0x23B0]  }
0x101: {  	[tilespmem:$0x2260] =	vst v32;
	v35 =	vadd.f32 v34, v33;
	v59 =	vld [tilespmem:$0x1FC90]  }
0x102: {  	[tilespmem:$0x2550] =	vst v0;
	v60 =	vld [tilespmem:$0x1FCA0]  }
0x103: {  	[tilespmem:$0x2270] =	vst v35;
	v61 =	vld [tilespmem:$0x1FCB0]  }
0x104: {  	[tilespmem:$0x2540] =	vst v2;
	v18 =	vadd.f32 v44, v43;
	v62 =	vld [tilespmem:$0x1FCC0]  }
0x105: {  	v20 =	vadd.f32 v46, v45;
	[tilespmem:$0x1FDF0] =	vst v63;
	v63 =	vld [tilespmem:$0x2BB0]  }
0x106: {  	[tilespmem:$0x22A0] =	vst v18;
	v18 =	vadd.f32 v48, v47;
	v32 =	vld [tilespmem:$0x1FCD0]  }
0x107: {  	[tilespmem:$0x22B0] =	vst v20;
	v20 =	vadd.f32 v52, v51;
	v33 =	vld [tilespmem:$0x1FCE0]  }
0x108: {  	[tilespmem:$0x22C0] =	vst v18;
	v34 =	vld [tilespmem:$0x1FCF0]  }
0x109: {  	[tilespmem:$0x22D0] =	vst v20;
	v18 =	vadd.f32 v54, v53;
	v35 =	vld [tilespmem:$0x1FD00]  }
0x10a: {  	v20 =	vadd.f32 v56, v55;
	[tilespmem:$0x1FE00] =	vst v63;
	v63 =	vld [tilespmem:$0x23C0]  }
0x10b: {  	v2 =	vld [tilespmem:$0x2EB0];
	[tilespmem:$0x22E0] =	vst v18;
	v18 =	vadd.f32 v60, v59  }
0x10c: {  	v0 =	vadd.f32 v21, v16;
	v16 =	vld [tilespmem:$0x2EE0];
	[tilespmem:$0x22F0] =	vst v20;
	v20 =	vadd.f32 v62, v61  }
0x10d: {  	[tilespmem:$0x2300] =	vst v18;
	v18 =	vadd.f32 v33, v32;
	v33 =	vld [tilespmem:$0x25B0]  }
0x10e: {  	[tilespmem:$0x2310] =	vst v20;
	v20 =	vadd.f32 v35, v34;
	v34 =	vld [tilespmem:$0x2DB0]  }
0x10f: {  	[tilespmem:$0x1FE10] =	vst v63;
	v63 =	vld [tilespmem:$0x2BC0]  }
0x110: {  	v32 =	vld [tilespmem:$0x2DA0]  }
0x111: {  	v38 =	vadd.f32 v37, v36;
	v36 =	vld [tilespmem:$0x1FD10]  }
0x112: {  	v35 =	vld [tilespmem:$0x25C0]  }
0x113: {  	v37 =	vld [tilespmem:$0x1FD20]  }
0x114: {  	v34 =	vadd.f32 v34, v33;
	[tilespmem:$0x1FE20] =	vst v63;
	v63 =	vld [tilespmem:$0x23D0]  }
0x115: {  	v33 =	vld [tilespmem:$0x2F20]  }
0x116: {  	[tilespmem:$0x25B0] =	vst v34;
	v34 =	vld [tilespmem:$0x2730]  }
0x117: {  	[tilespmem:$0x2280] =	vst v38;
	v38 =	vld [tilespmem:$0x1FD30]  }
0x118: {  	[tilespmem:$0x2320] =	vst v18;
	v18 =	vadd.f32 v37, v36;
	v36 =	vld [tilespmem:$0x2DC0]  }
0x119: {  	[tilespmem:$0x1FE30] =	vst v63;
	v63 =	vld [tilespmem:$0x2BD0]  }
0x11a: {  	v37 =	vld [tilespmem:$0x25D0]  }
0x11b: {  	[tilespmem:$0x2560] =	vst v0;
	v0 =	vadd.f32 v26, v25;
	v40 =	vld [tilespmem:$0x1FD40]  }
0x11c: {  	v41 =	vld [tilespmem:$0x1FD50]  }
0x11d: {  	[tilespmem:$0x2580] =	vst v0;
	v0 =	vadd.f32 v32, v29;
	v43 =	vld [tilespmem:$0x1FD60]  }
0x11e: {  	[tilespmem:$0x1FE40] =	vst v63;
	v63 =	vld [tilespmem:$0x23E0]  }
0x11f: {  	[tilespmem:$0x25A0] =	vst v0;
	v0 =	vadd.f32 v36, v35;
	v36 =	vld [tilespmem:$0x2F30]  }
0x120: {  	[tilespmem:$0x2330] =	vst v20;
	v20 =	vadd.f32 v40, v38;
	v38 =	vld [tilespmem:$0x2DD0]  }
0x121: {  	v40 =	vld [tilespmem:$0x25E0]  }
0x122: {  	[tilespmem:$0x2340] =	vst v18;
	v18 =	vadd.f32 v43, v41;
	v41 =	vld [tilespmem:$0x2DE0]  }
0x123: {  	[tilespmem:$0x1FE50] =	vst v63;
	v63 =	vld [tilespmem:$0x2BE0]  }
0x124: {  	v44 =	vld [tilespmem:$0x1FD70]  }
0x125: {  	v43 =	vld [tilespmem:$0x25F0]  }
0x126: {  	v45 =	vld [tilespmem:$0x1FD80]  }
0x127: {  	[tilespmem:$0x25C0] =	vst v0;
	v0 =	vadd.f32 v41, v40;
	v40 =	vld [tilespmem:$0x2F50]  }
0x128: {  	[tilespmem:$0x1FE60] =	vst v63;
	v63 =	vld [tilespmem:$0x23F0]  }
0x129: {  	v46 =	vld [tilespmem:$0x1FD90]  }
0x12a: {  	v47 =	vld [tilespmem:$0x1FDA0]  }
0x12b: {  	v41 =	vld [tilespmem:$0x2760]  }
0x12c: {  	[tilespmem:$0x2350] =	vst v20;
	v20 =	vadd.f32 v45, v44;
	v44 =	vld [tilespmem:$0x2DF0]  }
0x12d: {  	[tilespmem:$0x1FE70] =	vst v63;
	v63 =	vld [tilespmem:$0x2BF0]  }
0x12e: {  	v45 =	vld [tilespmem:$0x2600]  }
0x12f: {  	[tilespmem:$0x2360] =	vst v18;
	v18 =	vadd.f32 v47, v46;
	v46 =	vld [tilespmem:$0x2E00]  }
0x130: {  	v48 =	vld [tilespmem:$0x1FDB0]  }
0x131: {  	v47 =	vld [tilespmem:$0x2610]  }
0x132: {  	[tilespmem:$0x1FE80] =	vst v63;
	v63 =	vld [tilespmem:$0x2400]  }
0x133: {  	v51 =	vld [tilespmem:$0x1FDC0]  }
0x134: {  	[tilespmem:$0x25E0] =	vst v0;
	v0 =	vadd.f32 v46, v45;
	v45 =	vld [tilespmem:$0x2780]  }
0x135: {  	v52 =	vld [tilespmem:$0x1FDD0]  }
0x136: {  	v53 =	vld [tilespmem:$0x1FDE0]  }
0x137: {  	[tilespmem:$0x1FE90] =	vst v63;
	v63 =	vld [tilespmem:$0x2C00]  }
0x138: {  	v54 =	vld [tilespmem:$0x1FDF0]  }
0x139: {  	v55 =	vld [tilespmem:$0x1FE00]  }
0x13a: {  	v56 =	vld [tilespmem:$0x1FE10]  }
0x13b: {  	v60 =	vld [tilespmem:$0x1FE30]  }
0x13c: {  	[tilespmem:$0x1FEA0] =	vst v63;
	v63 =	vld [tilespmem:$0x2410]  }
0x13d: {  	v61 =	vld [tilespmem:$0x1FE40]  }
0x13e: {  	[tilespmem:$0x2370] =	vst v20;
	v20 =	vadd.f32 v51, v48;
	v59 =	vld [tilespmem:$0x1FE20]  }
0x13f: {  	[tilespmem:$0x2380] =	vst v18;
	v62 =	vld [tilespmem:$0x1FE50]  }
0x140: {  	[tilespmem:$0x2390] =	vst v20;
	v20 =	vadd.f32 v55, v54;
	v48 =	vld [tilespmem:$0x1FE60]  }
0x141: {  	v18 =	vadd.f32 v53, v52;
	[tilespmem:$0x1FEB0] =	vst v63;
	v63 =	vld [tilespmem:$0x2C10]  }
0x142: {  	[tilespmem:$0x23B0] =	vst v20;
	v20 =	vadd.f32 v61, v60;
	v60 =	vld [tilespmem:$0x1FEE0]  }
0x143: {  	[tilespmem:$0x23A0] =	vst v18;
	v18 =	vadd.f32 v59, v56;
	v61 =	vld [tilespmem:$0x1FEF0]  }
0x144: {  	v51 =	vld [tilespmem:$0x1FE70]  }
0x145: {  	[tilespmem:$0x23C0] =	vst v18;
	v18 =	vadd.f32 v48, v62;
	v62 =	vld [tilespmem:$0x1FF00]  }
0x146: {  	[tilespmem:$0x1FEC0] =	vst v63;
	v63 =	vld [tilespmem:$0x2420]  }
0x147: {  	v52 =	vld [tilespmem:$0x1FE80]  }
0x148: {  	v55 =	vld [tilespmem:$0x1FEB0]  }
0x149: {  	v56 =	vld [tilespmem:$0x1FEC0]  }
0x14a: {  	v53 =	vld [tilespmem:$0x1FE90]  }
0x14b: {  	[tilespmem:$0x1FED0] =	vst v63;
	v63 =	vld [tilespmem:$0x2430]  }
0x14c: {  	[tilespmem:$0x23D0] =	vst v20;
	v20 =	vadd.f32 v52, v51;
	v54 =	vld [tilespmem:$0x1FEA0]  }
0x14d: {  	v51 =	vld [tilespmem:$0x2620]  }
0x14e: {  	[tilespmem:$0x23F0] =	vst v20;
	v20 =	vadd.f32 v56, v55;
	v59 =	vld [tilespmem:$0x1FED0]  }
0x14f: {  	v52 =	vld [tilespmem:$0x2E20]  }
0x150: {  	[tilespmem:$0x2410] =	vst v20;
	v20 =	vadd.f32 v61, v63;
	v63 =	vld [tilespmem:$0x1FF10]  }
0x151: {  	[tilespmem:$0x23E0] =	vst v18;
	v18 =	vadd.f32 v54, v53;
	v53 =	vld [tilespmem:$0x2630]  }
0x152: {  	v54 =	vld [tilespmem:$0x2E30]  }
0x153: {  	[tilespmem:$0x2400] =	vst v18;
	v56 =	vld [tilespmem:$0x1FF20];
	v18 =	vadd.f32 v60, v59  }
0x154: {  	v59 =	vld [tilespmem:$0x1FF30]  }
0x155: {  	[tilespmem:$0x2420] =	vst v18;
	v18 =	vadd.f32 v63, v62;
	v62 =	vld [tilespmem:$0x1FF60]  }
0x156: {  	v63 =	vld [tilespmem:$0x1FF70]  }
0x157: {  	v55 =	vld [tilespmem:$0x2640]  }
0x158: {  	v24 =	vadd.f32 v24, v23;
	v61 =	vld [tilespmem:$0x1FF50]  }
0x159: {  	v60 =	vld [tilespmem:$0x1FF40];
	[tilespmem:$0x2430] =	vst v20;
	v20 =	vadd.f32 v59, v56  }
0x15a: {  	[tilespmem:$0x2570] =	vst v24;
	v46 =	vadd.f32 v16, v15;
	v56 =	vld [tilespmem:$0x2E40]  }
0x15b: {  	[tilespmem:$0x2450] =	vst v20;
	v20 =	vadd.f32 v63, v62;
	v62 =	vadd.f32 v30, v39;
	v30 =	vld [tilespmem:$0x2660]  }
0x15c: {  	[tilespmem:$0x2600] =	vst v0;
	v0 =	vadd.f32 v52, v51;
	v63 =	vadd.f32 v22, v31;
	v22 =	vld [tilespmem:$0x2E60]  }
0x15d: {  	[tilespmem:$0x26E0] =	vst v46;
	v48 =	vld [tilespmem:$0x2E10];
	v32 =	vadd.f32 v54, v53  }
0x15e: {  	v51 =	vld [tilespmem:$0x27A0];
	[tilespmem:$0x2620] =	vst v0  }
0x15f: {  	v53 =	vld [tilespmem:$0x2FA0];
	[tilespmem:$0x2630] =	vst v32;
	v0 =	vadd.f32 v56, v55  }
0x160: {  	v54 =	vld [tilespmem:$0x27B0];
	[tilespmem:$0x2440] =	vst v18;
	v18 =	vadd.f32 v61, v60  }
0x161: {  	v59 =	vld [tilespmem:$0x1FF80];
	[tilespmem:$0x2640] =	vst v0;
	v0 =	vadd.f32 v22, v30  }
0x162: {  	v60 =	vadd.f32 v49, v58;
	v49 =	vld [tilespmem:$0x2650];
	[tilespmem:$0x2460] =	vst v18  }
0x163: {  	v61 =	vadd.f32 v42, v50;
	v42 =	vld [tilespmem:$0x2E50];
	[tilespmem:$0x2660] =	vst v0;
	v0 =	vadd.f32 v3, v1  }
0x164: {  	v50 =	vld [tilespmem:$0x2EF0];
	[tilespmem:$0x2490] =	vst v60  }
0x165: {  	[tilespmem:$0x2680] =	vst v0;
	v0 =	vld [tilespmem:$0x1FFB0]  }
0x166: {  	v58 =	vadd.f32 v44, v43;
	[tilespmem:$0x2470] =	vst v20;
	v20 =	vld [tilespmem:$0x1FFA0]  }
0x167: {  	v43 =	vadd.f32 v12, v10;
	v44 =	vld [tilespmem:$0x2F70];
	[tilespmem:$0x24A0] =	vst v61  }
0x168: {  	v60 =	vld [tilespmem:$0x2710];
	[tilespmem:$0x25F0] =	vst v58;
	v61 =	vadd.f32 v48, v47  }
0x169: {  	[tilespmem:$0x26C0] =	vst v43;
	v47 =	vld [tilespmem:$0x2F80]  }
0x16a: {  	v48 =	vld [tilespmem:$0x2790];
	[tilespmem:$0x2610] =	vst v61;
	v0 =	vadd.f32 v0, v6  }
0x16b: {  	[tilespmem:$0x24B0] =	vst v62;
	v9 =	vadd.f32 v20, v17;
	v17 =	vld [tilespmem:$0x26F0]  }
0x16c: {  	v58 =	vld [tilespmem:$0x2FD0];
	[tilespmem:$0x26A0] =	vst v0;
	v0 =	vadd.f32 v2, v8  }
0x16d: {  	v31 =	vadd.f32 v28, v27;
	[tilespmem:$0x24C0] =	vst v63;
	v62 =	vld [tilespmem:$0x2F10]  }
0x16e: {  	v39 =	vadd.f32 v38, v37;
	v37 =	vld [tilespmem:$0x2740];
	[tilespmem:$0x26B0] =	vst v0;
	v0 =	vadd.f32 v14, v13  }
0x16f: {  	v18 =	vadd.f32 v57, v59;
	v57 =	vld [tilespmem:$0x2700];
	[tilespmem:$0x2590] =	vst v31  }
0x170: {  	v59 =	vld [tilespmem:$0x2F00];
	[tilespmem:$0x26D0] =	vst v0;
	v0 =	vadd.f32 v50, v17  }
0x171: {  	v38 =	vadd.f32 v11, v19;
	[tilespmem:$0x25D0] =	vst v39;
	v1 =	vld [tilespmem:$0x2750]  }
0x172: {  	v56 =	vld [tilespmem:$0x2020];
	[tilespmem:$0x26F0] =	vst v0;
	v0 =	vadd.f32 v62, v60  }
0x173: {  	[tilespmem:$0x2670] =	vst v38;
	v2 =	vld [tilespmem:$0x2770]  }
0x174: {  	v63 =	vld [tilespmem:$0x2720];
	[tilespmem:$0x2710] =	vst v0;
	v0 =	vadd.f32 v36, v34  }
0x175: {  	v35 =	vadd.f32 v42, v49;
	[tilespmem:$0x2480] =	vst v18;
	v50 =	vld [tilespmem:$0x2F90]  }
0x176: {  	v61 =	vld [tilespmem:$0x27F0];
	[tilespmem:$0x2730] =	vst v0;
	v0 =	vadd.f32 v40, v1  }
0x177: {  	v39 =	vld [tilespmem:$0x2F40];
	[tilespmem:$0x2650] =	vst v35;
	v3 =	vadd.f32 v5, v4  }
0x178: {  	v42 =	vld [tilespmem:$0x1FFC0];
	[tilespmem:$0x2750] =	vst v0;
	v0 =	vadd.f32 v44, v2  }
0x179: {  	v49 =	vadd.f32 v59, v57;
	v52 =	vadd.f32 v33, v63;
	v63 =	vld [tilespmem:$0x1FFE0];
	[tilespmem:$0x2690] =	vst v3  }
0x17a: {  	v3 =	vld [tilespmem:$0x2F60];
	[tilespmem:$0x2770] =	vst v0;
	v0 =	vadd.f32 v50, v48  }
0x17b: {  	[tilespmem:$0x2700] =	vst v49;
	v2 =	vld [tilespmem:$0x27D0]  }
0x17c: {  	[tilespmem:$0x2790] =	vst v0;
	v0 =	vld [tilespmem:$0x1FFD0]  }
0x17d: {  	v57 =	vld [tilespmem:$0x2FC0];
	v55 =	vadd.f32 v39, v37;
	[tilespmem:$0x2000] =	vst v9  }
0x17e: {  	[tilespmem:$0x2720] =	vst v52;
	v10 =	vadd.f32 v63, v56;
	v1 =	vld [tilespmem:$0x27C0]  }
0x17f: {  	v59 =	vld [tilespmem:$0x27E0];
	[tilespmem:$0x2740] =	vst v55;
	v3 =	vadd.f32 v3, v41  }
0x180: {  	[tilespmem:$0x2020] =	vst v10;
	v60 =	vld [tilespmem:$0x2FE0];
	v2 =	vadd.f32 v58, v2  }
0x181: {  	[tilespmem:$0x2760] =	vst v3;
	v62 =	vld [tilespmem:$0x2830];
	v0 =	vadd.f32 v0, v54  }
0x182: {  	v6 =	vadd.f32 v42, v7;
	[tilespmem:$0x27D0] =	vst v2;
	v2 =	vld [tilespmem:$0x1FFF0]  }
0x183: {  	v3 =	vadd.f32 v47, v45;
	[tilespmem:$0x27B0] =	vst v0;
	v0 =	vadd.f32 v57, v1;
	v1 =	vld [tilespmem:$0x2030]  }
0x184: {  	[tilespmem:$0x2010] =	vst v6  }
0x185: {  	[tilespmem:$0x2780] =	vst v3;
	v3 =	vadd.f32 v53, v51  }
0x186: {  	[tilespmem:$0x27C0] =	vst v0;
	v0 =	vadd.f32 v60, v59  }
0x187: {  	[tilespmem:$0x27A0] =	vst v3;
	v2 =	vadd.f32 v2, v61  }
0x188: {  	[tilespmem:$0x27E0] =	vst v0;
	v0 =	vadd.f32 v62, v1  }
0x189: {  	s5 =	simm.s32 $0x4000;
	[tilespmem:$0x27F0] =	vst v2  }
.LBB2_6:
0x18a: {  	s6 =	sshra.s32 s5, $0x2;
	p0 =	sne.s32 s5, $0x1E000;
	s5 =	sadd.s32 $0x2000, s5;
	[tilespmem:$0x2030] =	vst v0  }
0x18b: {  	s6 =	sadd.s32 s6, s2  }
0x18c: {  	[tilespmem:s4], [sflag:$0x3] =	stream.linear.gather [spmem:s6], $0x800, $0x38;
	[tilespmem:$0x3810] =	vst v63  }
0x18d: {  	_ =	swait.ge [sflag:s3], $0x800  }
0x18e: {  	[sflag:s3] =	ssyncset.done $0x0  }
0x18f: {  	[sflag:s3] =	ssyncadd.s32 $0xFFFFF800  }
0x190: {  	v2 =	vld [tilespmem:$0x2820]  }
0x191: {  	v0 =	vld [tilespmem:$0x2FF0]  }
0x192: {  	v4 =	vld [tilespmem:$0x2810]  }
0x193: {  	v3 =	vld [tilespmem:$0x2FB0]  }
0x194: {  	v6 =	vld [tilespmem:$0x2800]  }
0x195: {  	v5 =	vld [tilespmem:$0x2EA0]  }
0x196: {  	v7 =	vld [tilespmem:$0x2D50]  }
0x197: {  	v1 =	vld [tilespmem:$0x2830]  }
0x198: {  	v8 =	vld [tilespmem:$0x2040]  }
0x199: {  	v9 =	vld [tilespmem:$0x2840]  }
0x19a: {  	v10 =	vld [tilespmem:$0x2050]  }
0x19b: {  	v11 =	vld [tilespmem:$0x2850]  }
0x19c: {  	v12 =	vld [tilespmem:$0x2060]  }
0x19d: {  	v13 =	vld [tilespmem:$0x2860]  }
0x19e: {  	v8 =	vadd.f32 v9, v8;
	v9 =	vld [tilespmem:$0x2070]  }
0x19f: {  	v14 =	vld [tilespmem:$0x2870]  }
0x1a0: {  	[tilespmem:$0x2040] =	vst v8;
	v8 =	vadd.f32 v11, v10;
	v10 =	vld [tilespmem:$0x2080]  }
0x1a1: {  	v11 =	vld [tilespmem:$0x2880]  }
0x1a2: {  	[tilespmem:$0x2050] =	vst v8;
	v8 =	vadd.f32 v13, v12;
	v12 =	vld [tilespmem:$0x2090]  }
0x1a3: {  	v13 =	vld [tilespmem:$0x2890]  }
0x1a4: {  	[tilespmem:$0x2060] =	vst v8;
	v8 =	vadd.f32 v14, v9;
	v9 =	vld [tilespmem:$0x20A0]  }
0x1a5: {  	v14 =	vld [tilespmem:$0x28A0]  }
0x1a6: {  	[tilespmem:$0x2070] =	vst v8;
	v8 =	vadd.f32 v11, v10;
	v10 =	vld [tilespmem:$0x20B0]  }
0x1a7: {  	v11 =	vld [tilespmem:$0x28B0]  }
0x1a8: {  	[tilespmem:$0x2080] =	vst v8;
	v8 =	vadd.f32 v13, v12;
	v12 =	vld [tilespmem:$0x20C0]  }
0x1a9: {  	v13 =	vld [tilespmem:$0x28C0]  }
0x1aa: {  	[tilespmem:$0x2090] =	vst v8;
	v8 =	vadd.f32 v14, v9;
	v9 =	vld [tilespmem:$0x20D0]  }
0x1ab: {  	v14 =	vld [tilespmem:$0x28D0]  }
0x1ac: {  	[tilespmem:$0x20A0] =	vst v8;
	v8 =	vadd.f32 v11, v10;
	v10 =	vld [tilespmem:$0x20E0]  }
0x1ad: {  	v11 =	vld [tilespmem:$0x28E0]  }
0x1ae: {  	[tilespmem:$0x20B0] =	vst v8;
	v8 =	vadd.f32 v13, v12;
	v12 =	vld [tilespmem:$0x20F0]  }
0x1af: {  	v13 =	vld [tilespmem:$0x28F0]  }
0x1b0: {  	[tilespmem:$0x20C0] =	vst v8;
	v8 =	vadd.f32 v14, v9;
	v9 =	vld [tilespmem:$0x2100]  }
0x1b1: {  	v14 =	vld [tilespmem:$0x2900]  }
0x1b2: {  	[tilespmem:$0x20D0] =	vst v8;
	v8 =	vadd.f32 v11, v10;
	v10 =	vld [tilespmem:$0x2110]  }
0x1b3: {  	v11 =	vld [tilespmem:$0x2910]  }
0x1b4: {  	[tilespmem:$0x20E0] =	vst v8;
	v8 =	vadd.f32 v13, v12;
	v12 =	vld [tilespmem:$0x2120]  }
0x1b5: {  	v13 =	vld [tilespmem:$0x2920]  }
0x1b6: {  	[tilespmem:$0x20F0] =	vst v8;
	v8 =	vadd.f32 v14, v9;
	v9 =	vld [tilespmem:$0x2130]  }
0x1b7: {  	v14 =	vld [tilespmem:$0x2930]  }
0x1b8: {  	[tilespmem:$0x2100] =	vst v8;
	v8 =	vadd.f32 v11, v10;
	v10 =	vld [tilespmem:$0x2140]  }
0x1b9: {  	v11 =	vld [tilespmem:$0x2940]  }
0x1ba: {  	[tilespmem:$0x2110] =	vst v8;
	v8 =	vadd.f32 v13, v12;
	v12 =	vld [tilespmem:$0x2150]  }
0x1bb: {  	v13 =	vld [tilespmem:$0x2950]  }
0x1bc: {  	[tilespmem:$0x2120] =	vst v8;
	v8 =	vadd.f32 v14, v9;
	v9 =	vld [tilespmem:$0x2160]  }
0x1bd: {  	v14 =	vld [tilespmem:$0x2960]  }
0x1be: {  	[tilespmem:$0x2130] =	vst v8;
	v8 =	vadd.f32 v11, v10;
	v10 =	vld [tilespmem:$0x2170]  }
0x1bf: {  	v11 =	vld [tilespmem:$0x2970]  }
0x1c0: {  	[tilespmem:$0x2140] =	vst v8;
	v8 =	vadd.f32 v13, v12;
	v12 =	vld [tilespmem:$0x2180]  }
0x1c1: {  	v13 =	vld [tilespmem:$0x2980]  }
0x1c2: {  	[tilespmem:$0x2150] =	vst v8;
	v8 =	vadd.f32 v14, v9;
	v9 =	vld [tilespmem:$0x2190]  }
0x1c3: {  	v14 =	vld [tilespmem:$0x2990]  }
0x1c4: {  	[tilespmem:$0x2160] =	vst v8;
	v8 =	vadd.f32 v11, v10;
	v10 =	vld [tilespmem:$0x21A0]  }
0x1c5: {  	v11 =	vld [tilespmem:$0x29A0]  }
0x1c6: {  	[tilespmem:$0x2170] =	vst v8;
	v8 =	vadd.f32 v13, v12;
	v12 =	vld [tilespmem:$0x21B0]  }
0x1c7: {  	v13 =	vld [tilespmem:$0x29B0]  }
0x1c8: {  	[tilespmem:$0x2180] =	vst v8;
	v8 =	vadd.f32 v14, v9;
	v9 =	vld [tilespmem:$0x21C0]  }
0x1c9: {  	v14 =	vld [tilespmem:$0x29C0]  }
0x1ca: {  	[tilespmem:$0x2190] =	vst v8;
	v8 =	vadd.f32 v11, v10;
	v10 =	vld [tilespmem:$0x21D0]  }
0x1cb: {  	v11 =	vld [tilespmem:$0x29D0]  }
0x1cc: {  	[tilespmem:$0x21A0] =	vst v8;
	v8 =	vadd.f32 v13, v12;
	v12 =	vld [tilespmem:$0x21E0]  }
0x1cd: {  	v13 =	vld [tilespmem:$0x29E0]  }
0x1ce: {  	[tilespmem:$0x21B0] =	vst v8;
	v8 =	vadd.f32 v14, v9;
	v9 =	vld [tilespmem:$0x21F0]  }
0x1cf: {  	v14 =	vld [tilespmem:$0x29F0]  }
0x1d0: {  	[tilespmem:$0x21C0] =	vst v8;
	v8 =	vadd.f32 v11, v10;
	v10 =	vld [tilespmem:$0x2200]  }
0x1d1: {  	v11 =	vld [tilespmem:$0x2A00]  }
0x1d2: {  	[tilespmem:$0x21D0] =	vst v8;
	v8 =	vadd.f32 v13, v12;
	v12 =	vld [tilespmem:$0x2210]  }
0x1d3: {  	v13 =	vld [tilespmem:$0x2A10]  }
0x1d4: {  	[tilespmem:$0x21E0] =	vst v8;
	v8 =	vadd.f32 v14, v9;
	v9 =	vld [tilespmem:$0x2220]  }
0x1d5: {  	v14 =	vld [tilespmem:$0x2A20]  }
0x1d6: {  	[tilespmem:$0x21F0] =	vst v8;
	v8 =	vadd.f32 v11, v10;
	v10 =	vld [tilespmem:$0x2230]  }
0x1d7: {  	v11 =	vld [tilespmem:$0x2A30]  }
0x1d8: {  	[tilespmem:$0x2200] =	vst v8;
	v8 =	vadd.f32 v13, v12;
	v12 =	vld [tilespmem:$0x2240]  }
0x1d9: {  	v13 =	vld [tilespmem:$0x2A40]  }
0x1da: {  	[tilespmem:$0x2210] =	vst v8;
	v8 =	vadd.f32 v14, v9;
	v9 =	vld [tilespmem:$0x2250]  }
0x1db: {  	v14 =	vld [tilespmem:$0x2A50]  }
0x1dc: {  	[tilespmem:$0x2220] =	vst v8;
	v8 =	vadd.f32 v11, v10;
	v10 =	vld [tilespmem:$0x2260]  }
0x1dd: {  	v11 =	vld [tilespmem:$0x2A60]  }
0x1de: {  	[tilespmem:$0x2230] =	vst v8;
	v8 =	vadd.f32 v13, v12;
	v12 =	vld [tilespmem:$0x2270]  }
0x1df: {  	v13 =	vld [tilespmem:$0x2A70]  }
0x1e0: {  	[tilespmem:$0x2240] =	vst v8;
	v8 =	vadd.f32 v14, v9;
	v9 =	vld [tilespmem:$0x2280]  }
0x1e1: {  	v14 =	vld [tilespmem:$0x2A80]  }
0x1e2: {  	[tilespmem:$0x2250] =	vst v8;
	v8 =	vadd.f32 v11, v10;
	v10 =	vld [tilespmem:$0x2290]  }
0x1e3: {  	v11 =	vld [tilespmem:$0x2A90]  }
0x1e4: {  	[tilespmem:$0x2260] =	vst v8;
	v8 =	vadd.f32 v13, v12;
	v12 =	vld [tilespmem:$0x22A0]  }
0x1e5: {  	v13 =	vld [tilespmem:$0x2AA0]  }
0x1e6: {  	[tilespmem:$0x2270] =	vst v8;
	v8 =	vadd.f32 v14, v9;
	v9 =	vld [tilespmem:$0x22B0]  }
0x1e7: {  	v14 =	vld [tilespmem:$0x2AB0]  }
0x1e8: {  	[tilespmem:$0x2280] =	vst v8;
	v8 =	vadd.f32 v11, v10;
	v10 =	vld [tilespmem:$0x22C0]  }
0x1e9: {  	v11 =	vld [tilespmem:$0x2AC0]  }
0x1ea: {  	[tilespmem:$0x2290] =	vst v8;
	v8 =	vadd.f32 v13, v12;
	v12 =	vld [tilespmem:$0x22D0]  }
0x1eb: {  	v13 =	vld [tilespmem:$0x2AD0]  }
0x1ec: {  	[tilespmem:$0x22A0] =	vst v8;
	v8 =	vadd.f32 v14, v9;
	v9 =	vld [tilespmem:$0x22E0]  }
0x1ed: {  	v14 =	vld [tilespmem:$0x2AE0]  }
0x1ee: {  	[tilespmem:$0x22B0] =	vst v8;
	v8 =	vadd.f32 v11, v10;
	v10 =	vld [tilespmem:$0x22F0]  }
0x1ef: {  	v11 =	vld [tilespmem:$0x2AF0]  }
0x1f0: {  	[tilespmem:$0x22C0] =	vst v8;
	v8 =	vadd.f32 v13, v12;
	v12 =	vld [tilespmem:$0x2300]  }
0x1f1: {  	v13 =	vld [tilespmem:$0x2B00]  }
0x1f2: {  	[tilespmem:$0x22D0] =	vst v8;
	v8 =	vadd.f32 v14, v9;
	v9 =	vld [tilespmem:$0x2310]  }
0x1f3: {  	v14 =	vld [tilespmem:$0x2B10]  }
0x1f4: {  	[tilespmem:$0x22E0] =	vst v8;
	v8 =	vadd.f32 v11, v10;
	v10 =	vld [tilespmem:$0x2320]  }
0x1f5: {  	v11 =	vld [tilespmem:$0x2B20]  }
0x1f6: {  	[tilespmem:$0x22F0] =	vst v8;
	v8 =	vadd.f32 v13, v12;
	v12 =	vld [tilespmem:$0x2330]  }
0x1f7: {  	v13 =	vld [tilespmem:$0x2B30]  }
0x1f8: {  	[tilespmem:$0x2300] =	vst v8;
	v8 =	vadd.f32 v14, v9;
	v9 =	vld [tilespmem:$0x2340]  }
0x1f9: {  	v14 =	vld [tilespmem:$0x2B40]  }
0x1fa: {  	[tilespmem:$0x2310] =	vst v8;
	v8 =	vadd.f32 v11, v10;
	v10 =	vld [tilespmem:$0x2350]  }
0x1fb: {  	v11 =	vld [tilespmem:$0x2B50]  }
0x1fc: {  	[tilespmem:$0x2320] =	vst v8;
	v8 =	vadd.f32 v13, v12;
	v12 =	vld [tilespmem:$0x2360]  }
0x1fd: {  	v13 =	vld [tilespmem:$0x2B60]  }
0x1fe: {  	[tilespmem:$0x2330] =	vst v8;
	v8 =	vadd.f32 v14, v9;
	v9 =	vld [tilespmem:$0x2370]  }
0x1ff: {  	v14 =	vld [tilespmem:$0x2B70]  }
0x200: {  	[tilespmem:$0x2340] =	vst v8;
	v8 =	vadd.f32 v11, v10;
	v10 =	vld [tilespmem:$0x2380]  }
0x201: {  	v11 =	vld [tilespmem:$0x2B80]  }
0x202: {  	[tilespmem:$0x2350] =	vst v8;
	v8 =	vadd.f32 v13, v12;
	v12 =	vld [tilespmem:$0x2390]  }
0x203: {  	v13 =	vld [tilespmem:$0x2B90]  }
0x204: {  	[tilespmem:$0x2360] =	vst v8;
	v8 =	vadd.f32 v14, v9;
	v9 =	vld [tilespmem:$0x23A0]  }
0x205: {  	v14 =	vld [tilespmem:$0x2BA0]  }
0x206: {  	[tilespmem:$0x2370] =	vst v8;
	v8 =	vadd.f32 v11, v10;
	v10 =	vld [tilespmem:$0x23B0]  }
0x207: {  	v11 =	vld [tilespmem:$0x2BB0]  }
0x208: {  	[tilespmem:$0x2380] =	vst v8;
	v8 =	vadd.f32 v13, v12;
	v12 =	vld [tilespmem:$0x23C0]  }
0x209: {  	v13 =	vld [tilespmem:$0x2BC0]  }
0x20a: {  	[tilespmem:$0x2390] =	vst v8;
	v8 =	vadd.f32 v14, v9;
	v9 =	vld [tilespmem:$0x23D0]  }
0x20b: {  	v14 =	vld [tilespmem:$0x2BD0]  }
0x20c: {  	[tilespmem:$0x23A0] =	vst v8;
	v8 =	vadd.f32 v11, v10;
	v10 =	vld [tilespmem:$0x23E0]  }
0x20d: {  	v11 =	vld [tilespmem:$0x2BE0]  }
0x20e: {  	[tilespmem:$0x23B0] =	vst v8;
	v8 =	vadd.f32 v13, v12;
	v12 =	vld [tilespmem:$0x23F0]  }
0x20f: {  	v13 =	vld [tilespmem:$0x2BF0]  }
0x210: {  	[tilespmem:$0x23C0] =	vst v8;
	v8 =	vadd.f32 v14, v9;
	v9 =	vld [tilespmem:$0x2400]  }
0x211: {  	v14 =	vld [tilespmem:$0x2C00]  }
0x212: {  	[tilespmem:$0x23D0] =	vst v8;
	v8 =	vadd.f32 v11, v10;
	v10 =	vld [tilespmem:$0x2410]  }
0x213: {  	v11 =	vld [tilespmem:$0x2C10]  }
0x214: {  	[tilespmem:$0x23E0] =	vst v8;
	v8 =	vadd.f32 v13, v12;
	v12 =	vld [tilespmem:$0x2420]  }
0x215: {  	v13 =	vld [tilespmem:$0x2C20]  }
0x216: {  	[tilespmem:$0x23F0] =	vst v8;
	v8 =	vadd.f32 v14, v9;
	v9 =	vld [tilespmem:$0x2430]  }
0x217: {  	v14 =	vld [tilespmem:$0x2C30]  }
0x218: {  	[tilespmem:$0x2400] =	vst v8;
	v8 =	vadd.f32 v11, v10;
	v10 =	vld [tilespmem:$0x2440]  }
0x219: {  	v11 =	vld [tilespmem:$0x2C40]  }
0x21a: {  	[tilespmem:$0x2410] =	vst v8;
	v8 =	vadd.f32 v13, v12;
	v12 =	vld [tilespmem:$0x2450]  }
0x21b: {  	v13 =	vld [tilespmem:$0x2C50]  }
0x21c: {  	[tilespmem:$0x2420] =	vst v8;
	v8 =	vadd.f32 v14, v9;
	v9 =	vld [tilespmem:$0x2460]  }
0x21d: {  	v14 =	vld [tilespmem:$0x2C60]  }
0x21e: {  	[tilespmem:$0x2430] =	vst v8;
	v8 =	vadd.f32 v11, v10;
	v10 =	vld [tilespmem:$0x2470]  }
0x21f: {  	v11 =	vld [tilespmem:$0x2C70]  }
0x220: {  	[tilespmem:$0x2440] =	vst v8;
	v8 =	vadd.f32 v13, v12;
	v12 =	vld [tilespmem:$0x2480]  }
0x221: {  	v13 =	vld [tilespmem:$0x2C80]  }
0x222: {  	[tilespmem:$0x2450] =	vst v8;
	v8 =	vadd.f32 v14, v9;
	v9 =	vld [tilespmem:$0x2490]  }
0x223: {  	v14 =	vld [tilespmem:$0x2C90]  }
0x224: {  	[tilespmem:$0x2460] =	vst v8;
	v8 =	vadd.f32 v11, v10;
	v10 =	vld [tilespmem:$0x24A0]  }
0x225: {  	v11 =	vld [tilespmem:$0x2CA0]  }
0x226: {  	[tilespmem:$0x2470] =	vst v8;
	v8 =	vadd.f32 v13, v12;
	v12 =	vld [tilespmem:$0x24B0]  }
0x227: {  	v13 =	vld [tilespmem:$0x2CB0]  }
0x228: {  	[tilespmem:$0x2480] =	vst v8;
	v8 =	vadd.f32 v14, v9;
	v9 =	vld [tilespmem:$0x24C0]  }
0x229: {  	v14 =	vld [tilespmem:$0x2CC0]  }
0x22a: {  	[tilespmem:$0x2490] =	vst v8;
	v8 =	vadd.f32 v11, v10;
	v10 =	vld [tilespmem:$0x24D0]  }
0x22b: {  	v11 =	vld [tilespmem:$0x2CD0]  }
0x22c: {  	[tilespmem:$0x24A0] =	vst v8;
	v8 =	vadd.f32 v13, v12;
	v12 =	vld [tilespmem:$0x24E0]  }
0x22d: {  	v13 =	vld [tilespmem:$0x2CE0]  }
0x22e: {  	[tilespmem:$0x24B0] =	vst v8;
	v8 =	vadd.f32 v14, v9;
	v9 =	vld [tilespmem:$0x24F0]  }
0x22f: {  	v14 =	vld [tilespmem:$0x2CF0]  }
0x230: {  	[tilespmem:$0x24C0] =	vst v8;
	v8 =	vadd.f32 v11, v10;
	v10 =	vld [tilespmem:$0x2500]  }
0x231: {  	v11 =	vld [tilespmem:$0x2D00]  }
0x232: {  	[tilespmem:$0x24D0] =	vst v8;
	v8 =	vadd.f32 v13, v12;
	v12 =	vld [tilespmem:$0x2510]  }
0x233: {  	v13 =	vld [tilespmem:$0x2D10]  }
0x234: {  	[tilespmem:$0x24E0] =	vst v8;
	v8 =	vadd.f32 v14, v9;
	v9 =	vld [tilespmem:$0x2520]  }
0x235: {  	v14 =	vld [tilespmem:$0x2D20]  }
0x236: {  	[tilespmem:$0x24F0] =	vst v8;
	v8 =	vadd.f32 v11, v10;
	v10 =	vld [tilespmem:$0x2530]  }
0x237: {  	v11 =	vld [tilespmem:$0x2D30]  }
0x238: {  	[tilespmem:$0x2500] =	vst v8;
	v8 =	vadd.f32 v13, v12;
	v12 =	vld [tilespmem:$0x2540]  }
0x239: {  	v13 =	vld [tilespmem:$0x2D40]  }
0x23a: {  	[tilespmem:$0x2510] =	vst v8;
	v8 =	vadd.f32 v14, v9;
	v9 =	vld [tilespmem:$0x2550]  }
0x23b: {  	v14 =	vld [tilespmem:$0x2000]  }
0x23c: {  	[tilespmem:$0x2520] =	vst v8;
	v8 =	vadd.f32 v11, v10;
	v10 =	vld [tilespmem:$0x2560]  }
0x23d: {  	v11 =	vld [tilespmem:$0x2D60]  }
0x23e: {  	[tilespmem:$0x2530] =	vst v8;
	v8 =	vadd.f32 v13, v12;
	v12 =	vld [tilespmem:$0x2570]  }
0x23f: {  	v7 =	vadd.f32 v7, v9;
	v9 =	vld [tilespmem:$0x2D70]  }
0x240: {  	v6 =	vadd.f32 v6, v14;
	[tilespmem:$0x2540] =	vst v8;
	v8 =	vld [tilespmem:$0x2580]  }
0x241: {  	[tilespmem:$0x2550] =	vst v7;
	v7 =	vld [tilespmem:$0x2D80]  }
0x242: {  	[tilespmem:$0x2000] =	vst v6;
	v6 =	vadd.f32 v11, v10;
	v10 =	vld [tilespmem:$0x2590]  }
0x243: {  	v11 =	vld [tilespmem:$0x2D90]  }
0x244: {  	[tilespmem:$0x2560] =	vst v6;
	v6 =	vadd.f32 v9, v12;
	v9 =	vld [tilespmem:$0x25A0]  }
0x245: {  	v12 =	vld [tilespmem:$0x2DA0]  }
0x246: {  	[tilespmem:$0x2570] =	vst v6;
	v6 =	vadd.f32 v7, v8;
	v7 =	vld [tilespmem:$0x25B0]  }
0x247: {  	v8 =	vld [tilespmem:$0x2DB0]  }
0x248: {  	[tilespmem:$0x2580] =	vst v6;
	v6 =	vadd.f32 v11, v10;
	v10 =	vld [tilespmem:$0x25C0]  }
0x249: {  	v11 =	vld [tilespmem:$0x2DC0]  }
0x24a: {  	[tilespmem:$0x2590] =	vst v6;
	v6 =	vadd.f32 v12, v9;
	v9 =	vld [tilespmem:$0x25D0]  }
0x24b: {  	v12 =	vld [tilespmem:$0x2DD0]  }
0x24c: {  	[tilespmem:$0x25A0] =	vst v6;
	v6 =	vadd.f32 v8, v7;
	v7 =	vld [tilespmem:$0x25E0]  }
0x24d: {  	v8 =	vld [tilespmem:$0x2DE0]  }
0x24e: {  	[tilespmem:$0x25B0] =	vst v6;
	v6 =	vadd.f32 v11, v10;
	v10 =	vld [tilespmem:$0x25F0]  }
0x24f: {  	v11 =	vld [tilespmem:$0x2DF0]  }
0x250: {  	[tilespmem:$0x25C0] =	vst v6;
	v6 =	vadd.f32 v12, v9;
	v9 =	vld [tilespmem:$0x2600]  }
0x251: {  	v12 =	vld [tilespmem:$0x2E00]  }
0x252: {  	[tilespmem:$0x25D0] =	vst v6;
	v6 =	vadd.f32 v8, v7;
	v7 =	vld [tilespmem:$0x2610]  }
0x253: {  	v8 =	vld [tilespmem:$0x2E10]  }
0x254: {  	[tilespmem:$0x25E0] =	vst v6;
	v6 =	vadd.f32 v11, v10;
	v10 =	vld [tilespmem:$0x2620]  }
0x255: {  	v11 =	vld [tilespmem:$0x2E20]  }
0x256: {  	[tilespmem:$0x25F0] =	vst v6;
	v6 =	vadd.f32 v12, v9;
	v9 =	vld [tilespmem:$0x2630]  }
0x257: {  	v12 =	vld [tilespmem:$0x2E30]  }
0x258: {  	[tilespmem:$0x2600] =	vst v6;
	v6 =	vadd.f32 v8, v7;
	v7 =	vld [tilespmem:$0x2640]  }
0x259: {  	v8 =	vld [tilespmem:$0x2E40]  }
0x25a: {  	[tilespmem:$0x2610] =	vst v6;
	v6 =	vadd.f32 v11, v10;
	v10 =	vld [tilespmem:$0x2650]  }
0x25b: {  	v11 =	vld [tilespmem:$0x2E50]  }
0x25c: {  	[tilespmem:$0x2620] =	vst v6;
	v6 =	vadd.f32 v12, v9;
	v9 =	vld [tilespmem:$0x2660]  }
0x25d: {  	v12 =	vld [tilespmem:$0x2E60]  }
0x25e: {  	[tilespmem:$0x2630] =	vst v6;
	v6 =	vadd.f32 v8, v7;
	v7 =	vld [tilespmem:$0x2670]  }
0x25f: {  	v8 =	vld [tilespmem:$0x2E70]  }
0x260: {  	[tilespmem:$0x2640] =	vst v6;
	v6 =	vadd.f32 v11, v10;
	v10 =	vld [tilespmem:$0x2680]  }
0x261: {  	v11 =	vld [tilespmem:$0x2E80]  }
0x262: {  	[tilespmem:$0x2650] =	vst v6;
	v6 =	vadd.f32 v12, v9;
	v9 =	vld [tilespmem:$0x2690]  }
0x263: {  	v12 =	vld [tilespmem:$0x2E90]  }
0x264: {  	[tilespmem:$0x2660] =	vst v6;
	v6 =	vadd.f32 v8, v7;
	v7 =	vld [tilespmem:$0x26A0]  }
0x265: {  	v8 =	vld [tilespmem:$0x2010]  }
0x266: {  	[tilespmem:$0x2670] =	vst v6;
	v6 =	vadd.f32 v11, v10;
	v10 =	vld [tilespmem:$0x26B0]  }
0x267: {  	v11 =	vld [tilespmem:$0x2EB0]  }
0x268: {  	[tilespmem:$0x2680] =	vst v6;
	v6 =	vadd.f32 v12, v9;
	v9 =	vld [tilespmem:$0x26C0]  }
0x269: {  	v5 =	vadd.f32 v5, v7;
	v7 =	vld [tilespmem:$0x2EC0]  }
0x26a: {  	v4 =	vadd.f32 v4, v8;
	[tilespmem:$0x2690] =	vst v6;
	v6 =	vld [tilespmem:$0x26D0]  }
0x26b: {  	[tilespmem:$0x26A0] =	vst v5;
	v5 =	vld [tilespmem:$0x2ED0]  }
0x26c: {  	[tilespmem:$0x2010] =	vst v4;
	v4 =	vadd.f32 v11, v10;
	v8 =	vld [tilespmem:$0x26E0]  }
0x26d: {  	v10 =	vld [tilespmem:$0x2EE0]  }
0x26e: {  	[tilespmem:$0x26B0] =	vst v4;
	v4 =	vadd.f32 v7, v9;
	v7 =	vld [tilespmem:$0x26F0]  }
0x26f: {  	v9 =	vld [tilespmem:$0x2EF0]  }
0x270: {  	[tilespmem:$0x26C0] =	vst v4;
	v4 =	vadd.f32 v5, v6;
	v5 =	vld [tilespmem:$0x2700]  }
0x271: {  	v6 =	vld [tilespmem:$0x2F00]  }
0x272: {  	[tilespmem:$0x26D0] =	vst v4;
	v4 =	vadd.f32 v10, v8;
	v8 =	vld [tilespmem:$0x2710]  }
0x273: {  	v10 =	vld [tilespmem:$0x2F10]  }
0x274: {  	[tilespmem:$0x26E0] =	vst v4;
	v4 =	vadd.f32 v9, v7;
	v7 =	vld [tilespmem:$0x2720]  }
0x275: {  	v9 =	vld [tilespmem:$0x2F20]  }
0x276: {  	[tilespmem:$0x26F0] =	vst v4;
	v4 =	vadd.f32 v6, v5;
	v5 =	vld [tilespmem:$0x2730]  }
0x277: {  	v6 =	vld [tilespmem:$0x2F30]  }
0x278: {  	[tilespmem:$0x2700] =	vst v4;
	v4 =	vadd.f32 v10, v8;
	v8 =	vld [tilespmem:$0x2740]  }
0x279: {  	v10 =	vld [tilespmem:$0x2F40]  }
0x27a: {  	[tilespmem:$0x2710] =	vst v4;
	v4 =	vadd.f32 v9, v7;
	v7 =	vld [tilespmem:$0x2750]  }
0x27b: {  	v9 =	vld [tilespmem:$0x2F50]  }
0x27c: {  	[tilespmem:$0x2720] =	vst v4;
	v4 =	vadd.f32 v6, v5;
	v5 =	vld [tilespmem:$0x2760]  }
0x27d: {  	v6 =	vld [tilespmem:$0x2F60]  }
0x27e: {  	[tilespmem:$0x2730] =	vst v4;
	v4 =	vadd.f32 v10, v8;
	v8 =	vld [tilespmem:$0x2770]  }
0x27f: {  	v10 =	vld [tilespmem:$0x2F70]  }
0x280: {  	[tilespmem:$0x2740] =	vst v4;
	v4 =	vadd.f32 v9, v7;
	v7 =	vld [tilespmem:$0x2780]  }
0x281: {  	v9 =	vld [tilespmem:$0x2F80]  }
0x282: {  	[tilespmem:$0x2750] =	vst v4;
	v4 =	vadd.f32 v6, v5;
	v5 =	vld [tilespmem:$0x2790]  }
0x283: {  	v6 =	vld [tilespmem:$0x2F90]  }
0x284: {  	[tilespmem:$0x2760] =	vst v4;
	v4 =	vadd.f32 v10, v8;
	v8 =	vld [tilespmem:$0x27A0]  }
0x285: {  	v10 =	vld [tilespmem:$0x2FA0]  }
0x286: {  	[tilespmem:$0x2770] =	vst v4;
	v4 =	vadd.f32 v9, v7;
	v7 =	vld [tilespmem:$0x27B0]  }
0x287: {  	v9 =	vld [tilespmem:$0x2020]  }
0x288: {  	[tilespmem:$0x2780] =	vst v4;
	v4 =	vadd.f32 v6, v5;
	v5 =	vld [tilespmem:$0x27C0]  }
0x289: {  	v6 =	vld [tilespmem:$0x2FC0]  }
0x28a: {  	[tilespmem:$0x2790] =	vst v4;
	v4 =	vadd.f32 v10, v8;
	v8 =	vld [tilespmem:$0x27D0]  }
0x28b: {  	v3 =	vadd.f32 v3, v7;
	v7 =	vld [tilespmem:$0x2FD0]  }
0x28c: {  	v2 =	vadd.f32 v2, v9;
	[tilespmem:$0x27A0] =	vst v4;
	v4 =	vld [tilespmem:$0x27E0]  }
0x28d: {  	[tilespmem:$0x27B0] =	vst v3;
	v3 =	vld [tilespmem:$0x2FE0]  }
0x28e: {  	[tilespmem:$0x2020] =	vst v2;
	v2 =	vadd.f32 v6, v5;
	v5 =	vld [tilespmem:$0x27F0]  }
0x28f: {  	v6 =	vld [tilespmem:$0x2030]  }
0x290: {  	[tilespmem:$0x27C0] =	vst v2;
	v2 =	vadd.f32 v7, v8  }
.Ltmp2:
0x291: {  	(pc) =	sbr.rel @p0 .LBB2_6-.Ltmp2, $4  }
0x292: {  	[tilespmem:$0x27D0] =	vst v2;
	v2 =	vadd.f32 v3, v4  }
0x293: {  	v3 =	vadd.f32 v0, v5  }
0x294: {  	v0 =	vadd.f32 v1, v6;
	[tilespmem:$0x27E0] =	vst v2  }
0x295: {  	[tilespmem:$0x27F0] =	vst v3  }
0x296: {  	[tilespmem:$0x2030] =	vst v0;
	s2 =	simm.s32 $0x0  }
0x297: {  	v0 =	vld [tilespmem:s2+$0x2000];
	_ =	sdelay $0x2  }
0x298: {  	v1 =	vld [tilespmem:s2+$0x2400];
	_ =	sdelay $0x1  }
0x299: {  	(xrf2) =	vadd.scan.msk.f32 $0xffff, v0;
	_ =	sdelay $0x2  }
0x29a: {  	(xrf2) =	vadd.scan.msk.f32 $0xffff, v1;
	_ =	sdelay $0x2  }
0x29b: {  	s28 =	simm.s32 $0x10  }
0x29c: {  	v0 =	vld [tilespmem:s28+$0x2000]  }
0x29d: {  	s29 =	simm.s32 $0x20;
	v1 =	vld [tilespmem:s28+$0x2400]  }
0x29e: {  	v2 =	vld [tilespmem:s29+$0x2000]  }
0x29f: {  	v4 =	vld [tilespmem:s29+$0x2400];
	v3, _, _ =	vpop (xrf2)  }
0x2a0: {  	(v2sf) =	vpush v3, $0xF  }
0x2a1: {  	(xrf2) =	vadd.scan.msk.f32 $0xffff, v0  }
0x2a2: {  	v3, _, _ =	vpop (xrf2);
	(xrf2) =	vadd.scan.msk.f32 $0xffff, v1  }
0x2a3: {  	(xrf2) =	vadd.scan.msk.f32 $0xffff, v2  }
0x2a4: {  	(xrf2) =	vadd.scan.msk.f32 $0xffff, v4  }
0x2a5: {  	s30 =	simm.s32 $0x30  }
0x2a6: {  	(v2sf) =	vpush v3, $0xF;
	v3 =	vld [tilespmem:s30+$0x2000];
	_ =	sdelay $0x1  }
0x2a7: {  	s31 =	simm.s32 $0x40;
	v0 =	vld [tilespmem:s30+$0x2400]  }
0x2a8: {  	v1 =	vld [tilespmem:s31+$0x2000];
	_ =	sdelay $0x1  }
0x2a9: {  	(xrf2) =	vadd.scan.msk.f32 $0xffff, v3;
	v3, _, _ =	vpop (xrf2)  }
0x2aa: {  	(v2sf) =	vpush v3, $0xF;
	v3, _, _ =	vpop (xrf2)  }
0x2ab: {  	(xrf2) =	vadd.scan.msk.f32 $0xffff, v0;
	(v2sf) =	vpush v3, $0xF;
	v3, _, _ =	vpop (xrf2)  }
0x2ac: {  	(xrf2) =	vadd.scan.msk.f32 $0xffff, v1;
	(v2sf) =	vpush v3, $0xF;
	v1, _, _ =	vpop (xrf2)  }
0x2ad: {  	v2 =	vld [tilespmem:s31+$0x2400];
	s3 =	spop (v2sf);
	(v2sf) =	vpush v1, $0xF;
	_ =	sdelay $0x2  }
0x2ae: {  	s5 =	simm.s32 $0x50  }
0x2af: {  	v0 =	vld [tilespmem:s5+$0x2000]  }
0x2b0: {  	(xrf2) =	vadd.scan.msk.f32 $0xffff, v2;
	_ =	sdelay $0x1  }
0x2b1: {  	v1 =	vld [tilespmem:s5+$0x2400]  }
0x2b2: {  	s4 =	simm.s32 $0x180;
	s2 =	simm.f32 $0.0e+00;
	v2, _, _ =	vpop (xrf2);
	s5 =	spop (v2sf)  }
.LBB2_8:
0x2b3: {  	s6 =	sshra.s32 s4, $0x2;
	(xrf2) =	vadd.scan.msk.f32 $0xffff, v0;
	s3 =	smul.f32 s5, s3;
	p0 =	sne.s32 s4, $0xFC0  }
.Ltmp3:
0x2b4: {  	v0 =	vld [tilespmem:s6+$0x2000];
	(v2sf) =	vpush v2, $0xF;
	v2, _, _ =	vpop (xrf2);
	(pc) =	sbr.rel @p0 .LBB2_8-.Ltmp3, $4  }
0x2b5: {  	(v2sf) =	vpush v2, $0xF;
	s2 =	sadd.f32 s3, s2  }
0x2b6: {  	s4 =	sadd.s32 $0x40, s4;
	(xrf2) =	vadd.scan.msk.f32 $0xffff, v1  }
0x2b7: {  	v1 =	vld [tilespmem:s6+$0x2400];
	v2, _, _ =	vpop (xrf2);
	s3 =	spop (v2sf);
	_ =	sdelay $0x1  }
0x2b8: {  	s5 =	spop (v2sf)  }
0x2b9: {  	_ = 	snop  }
0x2ba: {  	(xrf2) =	vadd.scan.msk.f32 $0xffff, v0  }
0x2bb: {  	(xrf2) =	vadd.scan.msk.f32 $0xffff, v1;
	_ =	sdelay $0x4  }
0x2bc: {  	v58, _, _ =	vpop (xrf2);
	(v2sf) =	vpush v2, $0xF  }
0x2bd: {  	(v2sf) =	vpush v58, $0xF  }
0x2be: {  	v59, _, _ =	vpop (xrf2)  }
0x2bf: {  	(v2sf) =	vpush v59, $0xF;
	v60, _, _ =	vpop (xrf2)  }
0x2c0: {  	(v2sf) =	vpush v60, $0xF;
	v61, _, _ =	vpop (xrf2)  }
0x2c1: {  	(v2sf) =	vpush v61, $0xF;
	v62, _, _ =	vpop (xrf2)  }
0x2c2: {  	(v2sf) =	vpush v62, $0xF;
	_ =	sdelay $0x3  }
0x2c3: {  	s4 =	spop (v2sf);
	s3 =	smul.f32 s5, s3  }
0x2c4: {  	s15 =	spop (v2sf)  }
0x2c5: {  	s2 =	sadd.f32 s3, s2;
	s16 =	smul.f32 s15, s4  }
0x2c6: {  	s17 =	spop (v2sf)  }
0x2c7: {  	s2 =	sadd.f32 s16, s2;
	s18 =	spop (v2sf)  }
0x2c8: {  	s19 =	smul.f32 s18, s17;
	s20 =	spop (v2sf)  }
0x2c9: {  	s21 =	spop (v2sf)  }
0x2ca: {  	s2 =	sadd.f32 s19, s2;
	s22 =	smul.f32 s21, s20  }
0x2cb: {  	s23 =	spop (v2sf)  }
0x2cc: {  	s2 =	sadd.f32 s22, s2;
	s24 =	spop (v2sf)  }
0x2cd: {  	s3 =	smul.f32 s24, s23;
	s25 =	spop (v2sf)  }
0x2ce: {  	s26 =	spop (v2sf)  }
0x2cf: {  	s2 =	sadd.f32 s3, s2;
	s28 =	smul.f32 s26, s25  }
0x2d0: {  	_ = 	snop  }
0x2d1: {  	s2 =	sadd.f32 s28, s2;
	_ =	sdelay $0x1  }
0x2d2: {  	s2 =	smul.f32 $1.490116120e-08, s2;
	_ =	sdelay $0x1  }
0x2d3: {  	v63 =	vmov s2  }
0x2d4: {  	s29 =	simm.s32 $0x0;
	s30 =	simm.s32 $0x3000;
	s31 =	simm.s32 $0x3;
	[tilespmem:$0x3000] =	vst v63  }
0x2d5: {  	[hbm4b:s1+s29] =	stream.linear.scatter [tilespmem:s30], [sflag:$0x3], $0x10, $0x38;
	[tilespmem:$0x3810] =	vst v63  }
0x2d6: {  	_ =	swait.ge [sflag:s31], $0x10  }
0x2d7: {  	[sflag:s31] =	ssyncset.done $0x0  }
0x2d8: {  	[sflag:s31] =	ssyncadd.s32 $0xFFFFFFF0  }
0x2d9: {  	_ =	sfence.sel $0x180000  }
0x2da: {  	[bflag:$0x0] =	sbarrier.arrive $0xFFFF  }
0x2db: {  	_ =	strace $0x90000047  }
0x2dc: {  	s0 =	sadd.s32 $0x100000, s0;
	[bflag:$0x2] =	sbarrier.arrive $0xFFFF  }
0x2dd: {  	[sflag:s0] =	ssyncadd.tile.s32 $0x1;
	_ =	shalt  }
.Lfunc_end2:
_tile_overlayer_lowered:
.L_overlay_start_2:
0x2de: {  	(tag) =	ssettag $0x2  }
0x2df: {  	s0 =	rddreg [dreg:$0x0];
	s2 =	stileid.u32  }
0x2e0: {  	s1 =	rddreg [dreg:$0x1];
	p0 =	sne.s32 s2, $0x0  }
0x2e1: {  	s3 =	rddreg [dreg:$0x2];
	[bflag:$0x3] =	sbarrier.arrive $0xFFFF;
	s2 =	simm.s32 @!p0 $0x1C03  }
0x2e2: {  	[timem:s3], [sflag:s2] =	dma.local @!p0 [hbm:s0], s1  }
0x2e3: {  	s0 =	simm.s32 @!p0 $0x3  }
0x2e4: {  	_ =	swait.ge @!p0 [sflag:s0], s1  }
0x2e5: {  	s1 =	ssub.s32 @!p0 $0x0, s1;
	[sflag:s0] =	ssyncset.done @!p0 $0x0  }
0x2e6: {  	[sflag:s0] =	ssyncadd.s32 @!p0 s1  }
0x2e7: {  	[bflag:$0x3] =	sbarrier.arrive $0xFFFF  }
0x2e8: {  	_ =	shalt  }

</sc_bundles>
